<compile_context>
chip_gen: v7x
topology: tpu7x:2x2x1
jax: 0.10.2.dev20260603
libtpu: 0.0.44.dev20260713+nightly
codegen_flags: <defaults>
</compile_context>

<pallas_src>
import functools

import jax
import jax.numpy as jnp
from jax import lax
from jax.experimental import pallas as pl
from jax.experimental.pallas import tpu as pltpu
from jax.experimental.pallas import tpu_sc as plsc

_NC = 2
_NS = 16
_NW = _NC * _NS
_L = 16


def _build(T, B, D, V):
    DPT = D // _NW

    mesh = plsc.VectorSubcoreMesh(core_axis_name="c", subcore_axis_name="s")

    @functools.partial(
        pl.kernel,
        out_type=jax.ShapeDtypeStruct((T, D, B), jnp.float32),
        mesh=mesh,
        scratch_types=[
            pltpu.VMEM((V,), jnp.float32),
            pltpu.VMEM((2 * B,), jnp.int32),
            pltpu.VMEM((2 * B,), jnp.float32),
            pltpu.VMEM_SHARED((T * B,), jnp.int32),
            pltpu.SemaphoreType.DMA,
            pltpu.SemaphoreType.DMA,
            pltpu.SemaphoreType.DMA,
        ],
        compiler_params=pltpu.CompilerParams(needs_layout_passes=False),
    )
    def emb(idxt_hbm, wt_hbm, out_hbm, row_v, idx2_v, out2_v, idx_sh, isem, osem, wsem):
        wid = lax.axis_index("s") * _NC + lax.axis_index("c")
        sid = lax.axis_index("s")

        pltpu.async_copy(wt_hbm.at[wid], row_v, wsem)

        chunk = (T * B) // _NS
        pltpu.sync_copy(
            idxt_hbm.at[pl.ds(sid * chunk, chunk)],
            idx_sh.at[pl.ds(sid * chunk, chunk)],
        )
        plsc.subcore_barrier()

        def drain_idx():
            pltpu.make_async_copy(
                idx_sh.at[pl.ds(0, B)], idx2_v.at[pl.ds(0, B)], isem
            ).wait()

        def drain_out():
            pltpu.make_async_copy(out2_v.at[pl.ds(0, B)], out_hbm.at[0].at[0], osem).wait()

        for di in range(DPT):
            d = wid + di * _NW
            pltpu.async_copy(idx_sh.at[pl.ds(0, B)], idx2_v.at[pl.ds(0, B)], isem)
            pltpu.make_async_copy(wt_hbm.at[d], row_v, wsem).wait()

            def per_t(t, carry):
                iu, pu = carry
                ib = iu * B
                pb = pu * B

                @pl.when(t + 1 < T)
                def _():
                    pltpu.async_copy(
                        idx_sh.at[pl.ds((t + 1) * B, B)],
                        idx2_v.at[pl.ds((1 - iu) * B, B)],
                        isem,
                    )

                drain_idx()

                @pl.when(t >= 2)
                def _():
                    drain_out()

                @plsc.parallel_loop(0, B, step=_L, unroll=32)
                def _(i):
                    out2_v[pl.ds(pb + i, _L)] = plsc.load_gather(
                        row_v, [idx2_v[pl.ds(ib + i, _L)]]
                    )

                pltpu.async_copy(
                    out2_v.at[pl.ds(pb, B)], out_hbm.at[t].at[d], osem
                )
                return (1 - iu, 1 - pu)

            lax.fori_loop(0, T, per_t, (0, 0))
            if di + 1 < DPT:
                pltpu.async_copy(wt_hbm.at[wid + (di + 1) * _NW], row_v, wsem)
            drain_out()
            drain_out()

    return emb


def kernel(idx, W):
    B, T = idx.shape
    V, D = W.shape
    idxt = idx.T.astype(jnp.int32).reshape(-1)
    wt = W.T
    out3 = _build(T, B, D, V)(idxt, wt)
    return out3.transpose(2, 0, 1)

# --- scband reference (transcript-rebuilt; emitter-appended) ---
"""Pipeline reference for scband-embedding-89026082111509 (READ-ONLY COPY).

The authoritative reference and input builder live on the scoring server;
editing this copy changes nothing except your own understanding.
"""

import jax, jax.numpy as jnp
import numpy as np

NUM = 100000
DIM = 64

def setup_inputs(seed: int = 0) -> dict:
    key = jax.random.key(seed)
    k_idx, k_w = jax.random.split(key)
    idx = jax.random.randint(k_idx, (4096, 50), 0, NUM, dtype=jnp.int64)
    W = jax.random.normal(k_w, (NUM, DIM), dtype=jnp.float32)
    # padding_idx=0 -> row 0 initialized to zeros (matches nn.Embedding padding_idx)
    W = W.at[0].set(0.0)
    return {"idx": idx, "W": W}

def reference(idx, W):
    # nn.Embedding lookup: output[b, t] = W[idx[b, t]]
    return jnp.take(W, idx, axis=0)

if __name__ == "__main__":
    import jax
    _d = setup_inputs()
    print(jax.jit(kernel)(*tuple(_d.values())))

</pallas_src>

<mosaic_0001>
#map = affine_map<(d0, d1) -> (0)>
#map1 = affine_map<(d0, d1) -> (0, 0)>
#map2 = affine_map<(d0, d1) -> (0, 0, 0)>
module attributes {stable_mosaic.version = 14 : i64} {
  func.func @emb(%arg0: i32, %arg1: i32, %arg2: memref<204800xi32, #tpu.memory_space<hbm>>, %arg3: memref<64x100000xf32, #tpu.memory_space<hbm>>, %arg4: memref<50x64x4096xf32, #tpu.memory_space<hbm>>, %arg5: memref<100000xf32, #tpu.memory_space<vmem>>, %arg6: memref<8192xi32, #tpu.memory_space<vmem>>, %arg7: memref<8192xf32, #tpu.memory_space<vmem>>, %arg8: memref<204800xi32, #tpu.memory_space<vmem_shared>>, %arg9: memref<!tpu.dma_semaphore, #tpu.memory_space<semaphore_mem>>, %arg10: memref<!tpu.dma_semaphore, #tpu.memory_space<semaphore_mem>>, %arg11: memref<!tpu.dma_semaphore, #tpu.memory_space<semaphore_mem>>) attributes {dimension_semantics = [#tpu.dimension_semantics<core_parallel>, #tpu.dimension_semantics<subcore_parallel>], iteration_bounds = array<i64: 2, 16>, scalar_prefetch = 0 : i64, scratch_operands = 7 : i64, tpu.core_type = #tpu.core_type<sc_vector_subcore>, window_params = [{transform_indices = #map}, {transform_indices = #map1}, {transform_indices = #map2}]} {
    %mul3A = arith.constant 2 : i32
    %mul3A_0 = arith.muli %arg1, %mul3A : i32
    %add3A = arith.addi %mul3A_0, %arg0 : i32
    %dma_start3A = arith.constant 0 : i32
    %dma_start3A_1 = tpu.memref_slice %arg3[%add3A, %dma_start3A] : memref<64x100000xf32, #tpu.memory_space<hbm>> -> memref<1x100000xf32, #tpu.memory_space<hbm>>
    %dma_start3A_2 = tpu.memref_squeeze %dma_start3A_1 : memref<1x100000xf32, #tpu.memory_space<hbm>> -> memref<100000xf32, #tpu.memory_space<hbm>>
    %dma_start3A_3 = arith.constant 0 : i32
    %dma_start3A_4 = tpu.memref_slice %arg3[%add3A, %dma_start3A_3] : memref<64x100000xf32, #tpu.memory_space<hbm>> -> memref<1x100000xf32, #tpu.memory_space<hbm>>
    %dma_start3A_5 = tpu.memref_squeeze %dma_start3A_4 : memref<1x100000xf32, #tpu.memory_space<hbm>> -> memref<100000xf32, #tpu.memory_space<hbm>>
    tpu.enqueue_dma source(%dma_start3A_5 : memref<100000xf32, #tpu.memory_space<hbm>>) target(%arg5 : memref<100000xf32, #tpu.memory_space<vmem>>) target_semaphore(%arg11 : memref<!tpu.dma_semaphore, #tpu.memory_space<semaphore_mem>>)
    %mul3A_6 = arith.constant 12800 : i32
    %mul3A_7 = arith.muli %arg1, %mul3A_6 : i32
    %mul3A_8 = arith.constant 12800 : i32
    %mul3A_9 = arith.muli %arg1, %mul3A_8 : i32
    "tpu.region"() ({
      %run_scoped3A = tpu.sem_alloc : memref<!tpu.dma_semaphore, #tpu.memory_space<semaphore_mem>>
      %dma_start3A_144 = tpu.memref_slice %arg8[%mul3A_9] : memref<204800xi32, #tpu.memory_space<vmem_shared>> -> memref<12800xi32, #tpu.memory_space<vmem_shared>>
      %dma_start3A_145 = tpu.memref_slice %arg2[%mul3A_7] : memref<204800xi32, #tpu.memory_space<hbm>> -> memref<12800xi32, #tpu.memory_space<hbm>>
      tpu.enqueue_dma source(%dma_start3A_145 : memref<12800xi32, #tpu.memory_space<hbm>>) target(%dma_start3A_144 : memref<12800xi32, #tpu.memory_space<vmem_shared>>) target_semaphore(%run_scoped3A : memref<!tpu.dma_semaphore, #tpu.memory_space<semaphore_mem>>)
      %dma_wait3A_146 = tpu.memref_slice %arg8[%mul3A_9] : memref<204800xi32, #tpu.memory_space<vmem_shared>> -> memref<12800xi32, #tpu.memory_space<vmem_shared>>
      %dma_wait3A_147 = tpu.memref_slice %arg2[%mul3A_7] : memref<204800xi32, #tpu.memory_space<hbm>> -> memref<12800xi32, #tpu.memory_space<hbm>>
      tpu.wait_dma2 semaphore(%run_scoped3A : memref<!tpu.dma_semaphore, #tpu.memory_space<semaphore_mem>>) src(%dma_wait3A_147 : memref<12800xi32, #tpu.memory_space<hbm>>) dst(%dma_wait3A_146 : memref<12800xi32, #tpu.memory_space<vmem_shared>>)
      tpu.yield
    }) : () -> ()
    %barrier3A = arith.constant 0 : index
    tpu.barrier barrier_id(%barrier3A)
    %add3A_10 = arith.constant 0 : i32
    %add3A_11 = arith.addi %add3A, %add3A_10 : i32
    %dma_start3A_12 = arith.constant 0 : i32
    %dma_start3A_13 = tpu.memref_slice %arg6[%dma_start3A_12] : memref<8192xi32, #tpu.memory_space<vmem>> -> memref<4096xi32, #tpu.memory_space<vmem>>
    %dma_start3A_14 = arith.constant 0 : i32
    %dma_start3A_15 = tpu.memref_slice %arg8[%dma_start3A_14] : memref<204800xi32, #tpu.memory_space<vmem_shared>> -> memref<4096xi32, #tpu.memory_space<vmem_shared>>
    %dma_start3A_16 = arith.constant 0 : i32
    %dma_start3A_17 = tpu.memref_slice %arg6[%dma_start3A_16] : memref<8192xi32, #tpu.memory_space<vmem>> -> memref<4096xi32, #tpu.memory_space<vmem>>
    %dma_start3A_18 = arith.constant 0 : i32
    %dma_start3A_19 = tpu.memref_slice %arg8[%dma_start3A_18] : memref<204800xi32, #tpu.memory_space<vmem_shared>> -> memref<4096xi32, #tpu.memory_space<vmem_shared>>
    tpu.enqueue_dma source(%dma_start3A_19 : memref<4096xi32, #tpu.memory_space<vmem_shared>>) target(%dma_start3A_17 : memref<4096xi32, #tpu.memory_space<vmem>>) target_semaphore(%arg9 : memref<!tpu.dma_semaphore, #tpu.memory_space<semaphore_mem>>)
    %dma_wait3A = arith.constant 0 : i32
    %dma_wait3A_20 = tpu.memref_slice %arg3[%add3A_11, %dma_wait3A] : memref<64x100000xf32, #tpu.memory_space<hbm>> -> memref<1x100000xf32, #tpu.memory_space<hbm>>
    %dma_wait3A_21 = tpu.memref_squeeze %dma_wait3A_20 : memref<1x100000xf32, #tpu.memory_space<hbm>> -> memref<100000xf32, #tpu.memory_space<hbm>>
    %dma_wait3A_22 = arith.constant 0 : i32
    %dma_wait3A_23 = tpu.memref_slice %arg3[%add3A_11, %dma_wait3A_22] : memref<64x100000xf32, #tpu.memory_space<hbm>> -> memref<1x100000xf32, #tpu.memory_space<hbm>>
    %dma_wait3A_24 = tpu.memref_squeeze %dma_wait3A_23 : memref<1x100000xf32, #tpu.memory_space<hbm>> -> memref<100000xf32, #tpu.memory_space<hbm>>
    tpu.wait_dma2 semaphore(%arg11 : memref<!tpu.dma_semaphore, #tpu.memory_space<semaphore_mem>>) src(%dma_wait3A_24 : memref<100000xf32, #tpu.memory_space<hbm>>) dst(%arg5 : memref<100000xf32, #tpu.memory_space<vmem>>)
    %scan3A = arith.constant 0 : i32
    %scan3A_25 = arith.constant 0 : i32
    %scan3A_26 = arith.constant 0 : i32
    %scan3A_27 = arith.constant 50 : i32
    %scan3A_28 = arith.addi %scan3A_26, %scan3A_27 : i32
    %scan3A_29 = arith.constant 1 : i32
    %scan3A_30:2 = scf.for %scan3A_144 = %scan3A_26 to %scan3A_28 step %scan3A_29 iter_args(%scan3A_145 = %scan3A, %scan3A_146 = %scan3A_25) -> (i32, i32)  : i32 {
      %mul3A_147 = arith.constant 4096 : i32
      %mul3A_148 = arith.muli %scan3A_145, %mul3A_147 : i32
      %mul3A_149 = arith.constant 4096 : i32
      %mul3A_150 = arith.muli %scan3A_146, %mul3A_149 : i32
      %add3A_151 = arith.constant 1 : i32
      %add3A_152 = arith.addi %scan3A_144, %add3A_151 : i32
      %lt3A = arith.constant 50 : i32
      %lt3A_153 = arith.cmpi slt, %add3A_152, %lt3A : i32
      %convert_element_type3A = arith.extui %lt3A_153 : i1 to i32
      %cond3A = arith.constant 0 : i32
      %cond3A_154 = arith.cmpi ne, %convert_element_type3A, %cond3A : i32
      scf.if %cond3A_154 {
        %add3A_188 = arith.constant 1 : i32
        %add3A_189 = arith.addi %scan3A_144, %add3A_188 : i32
        %mul3A_190 = arith.constant 4096 : i32
        %mul3A_191 = arith.muli %add3A_189, %mul3A_190 : i32
        %sub3A_192 = arith.constant 1 : i32
        %sub3A_193 = arith.subi %sub3A_192, %scan3A_145 : i32
        %mul3A_194 = arith.constant 4096 : i32
        %mul3A_195 = arith.muli %sub3A_193, %mul3A_194 : i32
        %dma_start3A_196 = tpu.memref_slice %arg6[%mul3A_195] : memref<8192xi32, #tpu.memory_space<vmem>> -> memref<4096xi32, #tpu.memory_space<vmem>>
        %dma_start3A_197 = tpu.memref_slice %arg8[%mul3A_191] : memref<204800xi32, #tpu.memory_space<vmem_shared>> -> memref<4096xi32, #tpu.memory_space<vmem_shared>>
        %dma_start3A_198 = tpu.memref_slice %arg6[%mul3A_195] : memref<8192xi32, #tpu.memory_space<vmem>> -> memref<4096xi32, #tpu.memory_space<vmem>>
        %dma_start3A_199 = tpu.memref_slice %arg8[%mul3A_191] : memref<204800xi32, #tpu.memory_space<vmem_shared>> -> memref<4096xi32, #tpu.memory_space<vmem_shared>>
        tpu.enqueue_dma source(%dma_start3A_199 : memref<4096xi32, #tpu.memory_space<vmem_shared>>) target(%dma_start3A_198 : memref<4096xi32, #tpu.memory_space<vmem>>) target_semaphore(%arg9 : memref<!tpu.dma_semaphore, #tpu.memory_space<semaphore_mem>>)
      } else {
      }
      %dma_wait3A_155 = arith.constant 0 : i32
      %dma_wait3A_156 = tpu.memref_slice %arg6[%dma_wait3A_155] : memref<8192xi32, #tpu.memory_space<vmem>> -> memref<4096xi32, #tpu.memory_space<vmem>>
      %dma_wait3A_157 = arith.constant 0 : i32
      %dma_wait3A_158 = tpu.memref_slice %arg8[%dma_wait3A_157] : memref<204800xi32, #tpu.memory_space<vmem_shared>> -> memref<4096xi32, #tpu.memory_space<vmem_shared>>
      %dma_wait3A_159 = arith.constant 0 : i32
      %dma_wait3A_160 = tpu.memref_slice %arg6[%dma_wait3A_159] : memref<8192xi32, #tpu.memory_space<vmem>> -> memref<4096xi32, #tpu.memory_space<vmem>>
      %dma_wait3A_161 = arith.constant 0 : i32
      %dma_wait3A_162 = tpu.memref_slice %arg8[%dma_wait3A_161] : memref<204800xi32, #tpu.memory_space<vmem_shared>> -> memref<4096xi32, #tpu.memory_space<vmem_shared>>
      tpu.wait_dma2 semaphore(%arg9 : memref<!tpu.dma_semaphore, #tpu.memory_space<semaphore_mem>>) src(%dma_wait3A_162 : memref<4096xi32, #tpu.memory_space<vmem_shared>>) dst(%dma_wait3A_160 : memref<4096xi32, #tpu.memory_space<vmem>>)
      %ge3A = arith.constant 2 : i32
      %ge3A_163 = arith.cmpi sge, %scan3A_144, %ge3A : i32
      %convert_element_type3A_164 = arith.extui %ge3A_163 : i1 to i32
      %cond3A_165 = arith.constant 0 : i32
      %cond3A_166 = arith.cmpi ne, %convert_element_type3A_164, %cond3A_165 : i32
      scf.if %cond3A_166 {
        %dma_wait3A_188 = arith.constant 0 : i32
        %dma_wait3A_189 = arith.constant 0 : i32
        %dma_wait3A_190 = arith.constant 0 : i32
        %dma_wait3A_191 = tpu.memref_slice %arg7[%dma_wait3A_190] : memref<8192xf32, #tpu.memory_space<vmem>> -> memref<4096xf32, #tpu.memory_space<vmem>>
        %dma_wait3A_192 = arith.constant 0 : i32
        %dma_wait3A_193 = arith.constant 0 : i32
        %dma_wait3A_194 = tpu.memref_slice %arg4[%dma_wait3A_188, %dma_wait3A_192, %dma_wait3A_193] : memref<50x64x4096xf32, #tpu.memory_space<hbm>> -> memref<1x64x4096xf32, #tpu.memory_space<hbm>>
        %dma_wait3A_195 = tpu.memref_squeeze %dma_wait3A_194 : memref<1x64x4096xf32, #tpu.memory_space<hbm>> -> memref<64x4096xf32, #tpu.memory_space<hbm>>
        %dma_wait3A_196 = arith.constant 0 : i32
        %dma_wait3A_197 = tpu.memref_slice %dma_wait3A_195[%dma_wait3A_189, %dma_wait3A_196] : memref<64x4096xf32, #tpu.memory_space<hbm>> -> memref<1x4096xf32, #tpu.memory_space<hbm>>
        %dma_wait3A_198 = tpu.memref_squeeze %dma_wait3A_197 : memref<1x4096xf32, #tpu.memory_space<hbm>> -> memref<4096xf32, #tpu.memory_space<hbm>>
        %dma_wait3A_199 = arith.constant 0 : i32
        %dma_wait3A_200 = arith.constant 0 : i32
        %dma_wait3A_201 = tpu.memref_slice %arg4[%dma_wait3A_188, %dma_wait3A_199, %dma_wait3A_200] : memref<50x64x4096xf32, #tpu.memory_space<hbm>> -> memref<1x64x4096xf32, #tpu.memory_space<hbm>>
        %dma_wait3A_202 = tpu.memref_squeeze %dma_wait3A_201 : memref<1x64x4096xf32, #tpu.memory_space<hbm>> -> memref<64x4096xf32, #tpu.memory_space<hbm>>
        %dma_wait3A_203 = arith.constant 0 : i32
        %dma_wait3A_204 = tpu.memref_slice %dma_wait3A_202[%dma_wait3A_189, %dma_wait3A_203] : memref<64x4096xf32, #tpu.memory_space<hbm>> -> memref<1x4096xf32, #tpu.memory_space<hbm>>
        %dma_wait3A_205 = tpu.memref_squeeze %dma_wait3A_204 : memref<1x4096xf32, #tpu.memory_space<hbm>> -> memref<4096xf32, #tpu.memory_space<hbm>>
        %dma_wait3A_206 = arith.constant 0 : i32
        %dma_wait3A_207 = tpu.memref_slice %arg7[%dma_wait3A_206] : memref<8192xf32, #tpu.memory_space<vmem>> -> memref<4096xf32, #tpu.memory_space<vmem>>
        tpu.wait_dma2 semaphore(%arg10 : memref<!tpu.dma_semaphore, #tpu.memory_space<semaphore_mem>>) src(%dma_wait3A_207 : memref<4096xf32, #tpu.memory_space<vmem>>) dst(%dma_wait3A_205 : memref<4096xf32, #tpu.memory_space<hbm>>)
      } else {
      }
      %parallel_loop3A = arith.constant 0 : i32
      %parallel_loop3A_167 = arith.constant 4096 : i32
      %parallel_loop3A_168 = arith.constant 16 : i32
      scf.for %parallel_loop3A_188 = %parallel_loop3A to %parallel_loop3A_167 step %parallel_loop3A_168  : i32 {
        %parallel_loop3A_189 = arith.addi %mul3A_148, %parallel_loop3A_188 : i32
        %parallel_loop3A_190 = arith.index_cast %parallel_loop3A_189 : i32 to index
        %parallel_loop3A_191 = tpu.vector_load %arg6[%parallel_loop3A_190] {strides = array<i32>} : memref<8192xi32, #tpu.memory_space<vmem>>, vector<16xi32>,
        %parallel_loop3A_192 = tpu.vector_load_idx %arg5[%parallel_loop3A_191] : memref<100000xf32, #tpu.memory_space<vmem>>[vector<16xi32>], vector<16xf32>,
        %parallel_loop3A_193 = arith.addi %mul3A_150, %parallel_loop3A_188 : i32
        %parallel_loop3A_194 = arith.index_cast %parallel_loop3A_193 : i32 to index
        %parallel_loop3A_195 = tpu.vector_load %arg7[%parallel_loop3A_194] {strides = array<i32>} : memref<8192xf32, #tpu.memory_space<vmem>>, vector<16xf32>,
        tpu.vector_store %arg7[%parallel_loop3A_194], %parallel_loop3A_192 {strides = array<i32>} : memref<8192xf32, #tpu.memory_space<vmem>>, vector<16xf32>,
      } {sc.loop_unroll_factor = 32 : i64, sc.parallel_access}
      %dma_start3A_169 = tpu.memref_slice %arg7[%mul3A_150] : memref<8192xf32, #tpu.memory_space<vmem>> -> memref<4096xf32, #tpu.memory_space<vmem>>
      %dma_start3A_170 = arith.constant 0 : i32
      %dma_start3A_171 = arith.constant 0 : i32
      %dma_start3A_172 = tpu.memref_slice %arg4[%scan3A_144, %dma_start3A_170, %dma_start3A_171] : memref<50x64x4096xf32, #tpu.memory_space<hbm>> -> memref<1x64x4096xf32, #tpu.memory_space<hbm>>
      %dma_start3A_173 = tpu.memref_squeeze %dma_start3A_172 : memref<1x64x4096xf32, #tpu.memory_space<hbm>> -> memref<64x4096xf32, #tpu.memory_space<hbm>>
      %dma_start3A_174 = arith.constant 0 : i32
      %dma_start3A_175 = tpu.memref_slice %dma_start3A_173[%add3A_11, %dma_start3A_174] : memref<64x4096xf32, #tpu.memory_space<hbm>> -> memref<1x4096xf32, #tpu.memory_space<hbm>>
      %dma_start3A_176 = tpu.memref_squeeze %dma_start3A_175 : memref<1x4096xf32, #tpu.memory_space<hbm>> -> memref<4096xf32, #tpu.memory_space<hbm>>
      %dma_start3A_177 = arith.constant 0 : i32
      %dma_start3A_178 = arith.constant 0 : i32
      %dma_start3A_179 = tpu.memref_slice %arg4[%scan3A_144, %dma_start3A_177, %dma_start3A_178] : memref<50x64x4096xf32, #tpu.memory_space<hbm>> -> memref<1x64x4096xf32, #tpu.memory_space<hbm>>
      %dma_start3A_180 = tpu.memref_squeeze %dma_start3A_179 : memref<1x64x4096xf32, #tpu.memory_space<hbm>> -> memref<64x4096xf32, #tpu.memory_space<hbm>>
      %dma_start3A_181 = arith.constant 0 : i32
      %dma_start3A_182 = tpu.memref_slice %dma_start3A_180[%add3A_11, %dma_start3A_181] : memref<64x4096xf32, #tpu.memory_space<hbm>> -> memref<1x4096xf32, #tpu.memory_space<hbm>>
      %dma_start3A_183 = tpu.memref_squeeze %dma_start3A_182 : memref<1x4096xf32, #tpu.memory_space<hbm>> -> memref<4096xf32, #tpu.memory_space<hbm>>
      %dma_start3A_184 = tpu.memref_slice %arg7[%mul3A_150] : memref<8192xf32, #tpu.memory_space<vmem>> -> memref<4096xf32, #tpu.memory_space<vmem>>
      tpu.enqueue_dma source(%dma_start3A_184 : memref<4096xf32, #tpu.memory_space<vmem>>) target(%dma_start3A_183 : memref<4096xf32, #tpu.memory_space<hbm>>) target_semaphore(%arg10 : memref<!tpu.dma_semaphore, #tpu.memory_space<semaphore_mem>>)
      %sub3A = arith.constant 1 : i32
      %sub3A_185 = arith.subi %sub3A, %scan3A_145 : i32
      %sub3A_186 = arith.constant 1 : i32
      %sub3A_187 = arith.subi %sub3A_186, %scan3A_146 : i32
      scf.yield %sub3A_185, %sub3A_187 : i32, i32
    }
    %scan3A_31 = arith.constant 50 : i32
    %add3A_32 = arith.constant 32 : i32
    %add3A_33 = arith.addi %add3A, %add3A_32 : i32
    %dma_start3A_34 = arith.constant 0 : i32
    %dma_start3A_35 = tpu.memref_slice %arg3[%add3A_33, %dma_start3A_34] : memref<64x100000xf32, #tpu.memory_space<hbm>> -> memref<1x100000xf32, #tpu.memory_space<hbm>>
    %dma_start3A_36 = tpu.memref_squeeze %dma_start3A_35 : memref<1x100000xf32, #tpu.memory_space<hbm>> -> memref<100000xf32, #tpu.memory_space<hbm>>
    %dma_start3A_37 = arith.constant 0 : i32
    %dma_start3A_38 = tpu.memref_slice %arg3[%add3A_33, %dma_start3A_37] : memref<64x100000xf32, #tpu.memory_space<hbm>> -> memref<1x100000xf32, #tpu.memory_space<hbm>>
    %dma_start3A_39 = tpu.memref_squeeze %dma_start3A_38 : memref<1x100000xf32, #tpu.memory_space<hbm>> -> memref<100000xf32, #tpu.memory_space<hbm>>
    tpu.enqueue_dma source(%dma_start3A_39 : memref<100000xf32, #tpu.memory_space<hbm>>) target(%arg5 : memref<100000xf32, #tpu.memory_space<vmem>>) target_semaphore(%arg11 : memref<!tpu.dma_semaphore, #tpu.memory_space<semaphore_mem>>)
    %dma_wait3A_40 = arith.constant 0 : i32
    %dma_wait3A_41 = arith.constant 0 : i32
    %dma_wait3A_42 = arith.constant 0 : i32
    %dma_wait3A_43 = tpu.memref_slice %arg7[%dma_wait3A_42] : memref<8192xf32, #tpu.memory_space<vmem>> -> memref<4096xf32, #tpu.memory_space<vmem>>
    %dma_wait3A_44 = arith.constant 0 : i32
    %dma_wait3A_45 = arith.constant 0 : i32
    %dma_wait3A_46 = tpu.memref_slice %arg4[%dma_wait3A_40, %dma_wait3A_44, %dma_wait3A_45] : memref<50x64x4096xf32, #tpu.memory_space<hbm>> -> memref<1x64x4096xf32, #tpu.memory_space<hbm>>
    %dma_wait3A_47 = tpu.memref_squeeze %dma_wait3A_46 : memref<1x64x4096xf32, #tpu.memory_space<hbm>> -> memref<64x4096xf32, #tpu.memory_space<hbm>>
    %dma_wait3A_48 = arith.constant 0 : i32
    %dma_wait3A_49 = tpu.memref_slice %dma_wait3A_47[%dma_wait3A_41, %dma_wait3A_48] : memref<64x4096xf32, #tpu.memory_space<hbm>> -> memref<1x4096xf32, #tpu.memory_space<hbm>>
    %dma_wait3A_50 = tpu.memref_squeeze %dma_wait3A_49 : memref<1x4096xf32, #tpu.memory_space<hbm>> -> memref<4096xf32, #tpu.memory_space<hbm>>
    %dma_wait3A_51 = arith.constant 0 : i32
    %dma_wait3A_52 = arith.constant 0 : i32
    %dma_wait3A_53 = tpu.memref_slice %arg4[%dma_wait3A_40, %dma_wait3A_51, %dma_wait3A_52] : memref<50x64x4096xf32, #tpu.memory_space<hbm>> -> memref<1x64x4096xf32, #tpu.memory_space<hbm>>
    %dma_wait3A_54 = tpu.memref_squeeze %dma_wait3A_53 : memref<1x64x4096xf32, #tpu.memory_space<hbm>> -> memref<64x4096xf32, #tpu.memory_space<hbm>>
    %dma_wait3A_55 = arith.constant 0 : i32
    %dma_wait3A_56 = tpu.memref_slice %dma_wait3A_54[%dma_wait3A_41, %dma_wait3A_55] : memref<64x4096xf32, #tpu.memory_space<hbm>> -> memref<1x4096xf32, #tpu.memory_space<hbm>>
    %dma_wait3A_57 = tpu.memref_squeeze %dma_wait3A_56 : memref<1x4096xf32, #tpu.memory_space<hbm>> -> memref<4096xf32, #tpu.memory_space<hbm>>
    %dma_wait3A_58 = arith.constant 0 : i32
    %dma_wait3A_59 = tpu.memref_slice %arg7[%dma_wait3A_58] : memref<8192xf32, #tpu.memory_space<vmem>> -> memref<4096xf32, #tpu.memory_space<vmem>>
    tpu.wait_dma2 semaphore(%arg10 : memref<!tpu.dma_semaphore, #tpu.memory_space<semaphore_mem>>) src(%dma_wait3A_59 : memref<4096xf32, #tpu.memory_space<vmem>>) dst(%dma_wait3A_57 : memref<4096xf32, #tpu.memory_space<hbm>>)
    %dma_wait3A_60 = arith.constant 0 : i32
    %dma_wait3A_61 = arith.constant 0 : i32
    %dma_wait3A_62 = arith.constant 0 : i32
    %dma_wait3A_63 = tpu.memref_slice %arg7[%dma_wait3A_62] : memref<8192xf32, #tpu.memory_space<vmem>> -> memref<4096xf32, #tpu.memory_space<vmem>>
    %dma_wait3A_64 = arith.constant 0 : i32
    %dma_wait3A_65 = arith.constant 0 : i32
    %dma_wait3A_66 = tpu.memref_slice %arg4[%dma_wait3A_60, %dma_wait3A_64, %dma_wait3A_65] : memref<50x64x4096xf32, #tpu.memory_space<hbm>> -> memref<1x64x4096xf32, #tpu.memory_space<hbm>>
    %dma_wait3A_67 = tpu.memref_squeeze %dma_wait3A_66 : memref<1x64x4096xf32, #tpu.memory_space<hbm>> -> memref<64x4096xf32, #tpu.memory_space<hbm>>
    %dma_wait3A_68 = arith.constant 0 : i32
    %dma_wait3A_69 = tpu.memref_slice %dma_wait3A_67[%dma_wait3A_61, %dma_wait3A_68] : memref<64x4096xf32, #tpu.memory_space<hbm>> -> memref<1x4096xf32, #tpu.memory_space<hbm>>
    %dma_wait3A_70 = tpu.memref_squeeze %dma_wait3A_69 : memref<1x4096xf32, #tpu.memory_space<hbm>> -> memref<4096xf32, #tpu.memory_space<hbm>>
    %dma_wait3A_71 = arith.constant 0 : i32
    %dma_wait3A_72 = arith.constant 0 : i32
    %dma_wait3A_73 = tpu.memref_slice %arg4[%dma_wait3A_60, %dma_wait3A_71, %dma_wait3A_72] : memref<50x64x4096xf32, #tpu.memory_space<hbm>> -> memref<1x64x4096xf32, #tpu.memory_space<hbm>>
    %dma_wait3A_74 = tpu.memref_squeeze %dma_wait3A_73 : memref<1x64x4096xf32, #tpu.memory_space<hbm>> -> memref<64x4096xf32, #tpu.memory_space<hbm>>
    %dma_wait3A_75 = arith.constant 0 : i32
    %dma_wait3A_76 = tpu.memref_slice %dma_wait3A_74[%dma_wait3A_61, %dma_wait3A_75] : memref<64x4096xf32, #tpu.memory_space<hbm>> -> memref<1x4096xf32, #tpu.memory_space<hbm>>
    %dma_wait3A_77 = tpu.memref_squeeze %dma_wait3A_76 : memref<1x4096xf32, #tpu.memory_space<hbm>> -> memref<4096xf32, #tpu.memory_space<hbm>>
    %dma_wait3A_78 = arith.constant 0 : i32
    %dma_wait3A_79 = tpu.memref_slice %arg7[%dma_wait3A_78] : memref<8192xf32, #tpu.memory_space<vmem>> -> memref<4096xf32, #tpu.memory_space<vmem>>
    tpu.wait_dma2 semaphore(%arg10 : memref<!tpu.dma_semaphore, #tpu.memory_space<semaphore_mem>>) src(%dma_wait3A_79 : memref<4096xf32, #tpu.memory_space<vmem>>) dst(%dma_wait3A_77 : memref<4096xf32, #tpu.memory_space<hbm>>)
    %add3A_80 = arith.constant 32 : i32
    %add3A_81 = arith.addi %add3A, %add3A_80 : i32
    %dma_start3A_82 = arith.constant 0 : i32
    %dma_start3A_83 = tpu.memref_slice %arg6[%dma_start3A_82] : memref<8192xi32, #tpu.memory_space<vmem>> -> memref<4096xi32, #tpu.memory_space<vmem>>
    %dma_start3A_84 = arith.constant 0 : i32
    %dma_start3A_85 = tpu.memref_slice %arg8[%dma_start3A_84] : memref<204800xi32, #tpu.memory_space<vmem_shared>> -> memref<4096xi32, #tpu.memory_space<vmem_shared>>
    %dma_start3A_86 = arith.constant 0 : i32
    %dma_start3A_87 = tpu.memref_slice %arg6[%dma_start3A_86] : memref<8192xi32, #tpu.memory_space<vmem>> -> memref<4096xi32, #tpu.memory_space<vmem>>
    %dma_start3A_88 = arith.constant 0 : i32
    %dma_start3A_89 = tpu.memref_slice %arg8[%dma_start3A_88] : memref<204800xi32, #tpu.memory_space<vmem_shared>> -> memref<4096xi32, #tpu.memory_space<vmem_shared>>
    tpu.enqueue_dma source(%dma_start3A_89 : memref<4096xi32, #tpu.memory_space<vmem_shared>>) target(%dma_start3A_87 : memref<4096xi32, #tpu.memory_space<vmem>>) target_semaphore(%arg9 : memref<!tpu.dma_semaphore, #tpu.memory_space<semaphore_mem>>)
    %dma_wait3A_90 = arith.constant 0 : i32
    %dma_wait3A_91 = tpu.memref_slice %arg3[%add3A_81, %dma_wait3A_90] : memref<64x100000xf32, #tpu.memory_space<hbm>> -> memref<1x100000xf32, #tpu.memory_space<hbm>>
    %dma_wait3A_92 = tpu.memref_squeeze %dma_wait3A_91 : memref<1x100000xf32, #tpu.memory_space<hbm>> -> memref<100000xf32, #tpu.memory_space<hbm>>
    %dma_wait3A_93 = arith.constant 0 : i32
    %dma_wait3A_94 = tpu.memref_slice %arg3[%add3A_81, %dma_wait3A_93] : memref<64x100000xf32, #tpu.memory_space<hbm>> -> memref<1x100000xf32, #tpu.memory_space<hbm>>
    %dma_wait3A_95 = tpu.memref_squeeze %dma_wait3A_94 : memref<1x100000xf32, #tpu.memory_space<hbm>> -> memref<100000xf32, #tpu.memory_space<hbm>>
    tpu.wait_dma2 semaphore(%arg11 : memref<!tpu.dma_semaphore, #tpu.memory_space<semaphore_mem>>) src(%dma_wait3A_95 : memref<100000xf32, #tpu.memory_space<hbm>>) dst(%arg5 : memref<100000xf32, #tpu.memory_space<vmem>>)
    %scan3A_96 = arith.constant 0 : i32
    %scan3A_97 = arith.constant 0 : i32
    %scan3A_98 = arith.constant 0 : i32
    %scan3A_99 = arith.constant 50 : i32
    %scan3A_100 = arith.addi %scan3A_98, %scan3A_99 : i32
    %scan3A_101 = arith.constant 1 : i32
    %scan3A_102:2 = scf.for %scan3A_144 = %scan3A_98 to %scan3A_100 step %scan3A_101 iter_args(%scan3A_145 = %scan3A_96, %scan3A_146 = %scan3A_97) -> (i32, i32)  : i32 {
      %mul3A_147 = arith.constant 4096 : i32
      %mul3A_148 = arith.muli %scan3A_145, %mul3A_147 : i32
      %mul3A_149 = arith.constant 4096 : i32
      %mul3A_150 = arith.muli %scan3A_146, %mul3A_149 : i32
      %add3A_151 = arith.constant 1 : i32
      %add3A_152 = arith.addi %scan3A_144, %add3A_151 : i32
      %lt3A = arith.constant 50 : i32
      %lt3A_153 = arith.cmpi slt, %add3A_152, %lt3A : i32
      %convert_element_type3A = arith.extui %lt3A_153 : i1 to i32
      %cond3A = arith.constant 0 : i32
      %cond3A_154 = arith.cmpi ne, %convert_element_type3A, %cond3A : i32
      scf.if %cond3A_154 {
        %add3A_188 = arith.constant 1 : i32
        %add3A_189 = arith.addi %scan3A_144, %add3A_188 : i32
        %mul3A_190 = arith.constant 4096 : i32
        %mul3A_191 = arith.muli %add3A_189, %mul3A_190 : i32
        %sub3A_192 = arith.constant 1 : i32
        %sub3A_193 = arith.subi %sub3A_192, %scan3A_145 : i32
        %mul3A_194 = arith.constant 4096 : i32
        %mul3A_195 = arith.muli %sub3A_193, %mul3A_194 : i32
        %dma_start3A_196 = tpu.memref_slice %arg6[%mul3A_195] : memref<8192xi32, #tpu.memory_space<vmem>> -> memref<4096xi32, #tpu.memory_space<vmem>>
        %dma_start3A_197 = tpu.memref_slice %arg8[%mul3A_191] : memref<204800xi32, #tpu.memory_space<vmem_shared>> -> memref<4096xi32, #tpu.memory_space<vmem_shared>>
        %dma_start3A_198 = tpu.memref_slice %arg6[%mul3A_195] : memref<8192xi32, #tpu.memory_space<vmem>> -> memref<4096xi32, #tpu.memory_space<vmem>>
        %dma_start3A_199 = tpu.memref_slice %arg8[%mul3A_191] : memref<204800xi32, #tpu.memory_space<vmem_shared>> -> memref<4096xi32, #tpu.memory_space<vmem_shared>>
        tpu.enqueue_dma source(%dma_start3A_199 : memref<4096xi32, #tpu.memory_space<vmem_shared>>) target(%dma_start3A_198 : memref<4096xi32, #tpu.memory_space<vmem>>) target_semaphore(%arg9 : memref<!tpu.dma_semaphore, #tpu.memory_space<semaphore_mem>>)
      } else {
      }
      %dma_wait3A_155 = arith.constant 0 : i32
      %dma_wait3A_156 = tpu.memref_slice %arg6[%dma_wait3A_155] : memref<8192xi32, #tpu.memory_space<vmem>> -> memref<4096xi32, #tpu.memory_space<vmem>>
      %dma_wait3A_157 = arith.constant 0 : i32
      %dma_wait3A_158 = tpu.memref_slice %arg8[%dma_wait3A_157] : memref<204800xi32, #tpu.memory_space<vmem_shared>> -> memref<4096xi32, #tpu.memory_space<vmem_shared>>
      %dma_wait3A_159 = arith.constant 0 : i32
      %dma_wait3A_160 = tpu.memref_slice %arg6[%dma_wait3A_159] : memref<8192xi32, #tpu.memory_space<vmem>> -> memref<4096xi32, #tpu.memory_space<vmem>>
      %dma_wait3A_161 = arith.constant 0 : i32
      %dma_wait3A_162 = tpu.memref_slice %arg8[%dma_wait3A_161] : memref<204800xi32, #tpu.memory_space<vmem_shared>> -> memref<4096xi32, #tpu.memory_space<vmem_shared>>
      tpu.wait_dma2 semaphore(%arg9 : memref<!tpu.dma_semaphore, #tpu.memory_space<semaphore_mem>>) src(%dma_wait3A_162 : memref<4096xi32, #tpu.memory_space<vmem_shared>>) dst(%dma_wait3A_160 : memref<4096xi32, #tpu.memory_space<vmem>>)
      %ge3A = arith.constant 2 : i32
      %ge3A_163 = arith.cmpi sge, %scan3A_144, %ge3A : i32
      %convert_element_type3A_164 = arith.extui %ge3A_163 : i1 to i32
      %cond3A_165 = arith.constant 0 : i32
      %cond3A_166 = arith.cmpi ne, %convert_element_type3A_164, %cond3A_165 : i32
      scf.if %cond3A_166 {
        %dma_wait3A_188 = arith.constant 0 : i32
        %dma_wait3A_189 = arith.constant 0 : i32
        %dma_wait3A_190 = arith.constant 0 : i32
        %dma_wait3A_191 = tpu.memref_slice %arg7[%dma_wait3A_190] : memref<8192xf32, #tpu.memory_space<vmem>> -> memref<4096xf32, #tpu.memory_space<vmem>>
        %dma_wait3A_192 = arith.constant 0 : i32
        %dma_wait3A_193 = arith.constant 0 : i32
        %dma_wait3A_194 = tpu.memref_slice %arg4[%dma_wait3A_188, %dma_wait3A_192, %dma_wait3A_193] : memref<50x64x4096xf32, #tpu.memory_space<hbm>> -> memref<1x64x4096xf32, #tpu.memory_space<hbm>>
        %dma_wait3A_195 = tpu.memref_squeeze %dma_wait3A_194 : memref<1x64x4096xf32, #tpu.memory_space<hbm>> -> memref<64x4096xf32, #tpu.memory_space<hbm>>
        %dma_wait3A_196 = arith.constant 0 : i32
        %dma_wait3A_197 = tpu.memref_slice %dma_wait3A_195[%dma_wait3A_189, %dma_wait3A_196] : memref<64x4096xf32, #tpu.memory_space<hbm>> -> memref<1x4096xf32, #tpu.memory_space<hbm>>
        %dma_wait3A_198 = tpu.memref_squeeze %dma_wait3A_197 : memref<1x4096xf32, #tpu.memory_space<hbm>> -> memref<4096xf32, #tpu.memory_space<hbm>>
        %dma_wait3A_199 = arith.constant 0 : i32
        %dma_wait3A_200 = arith.constant 0 : i32
        %dma_wait3A_201 = tpu.memref_slice %arg4[%dma_wait3A_188, %dma_wait3A_199, %dma_wait3A_200] : memref<50x64x4096xf32, #tpu.memory_space<hbm>> -> memref<1x64x4096xf32, #tpu.memory_space<hbm>>
        %dma_wait3A_202 = tpu.memref_squeeze %dma_wait3A_201 : memref<1x64x4096xf32, #tpu.memory_space<hbm>> -> memref<64x4096xf32, #tpu.memory_space<hbm>>
        %dma_wait3A_203 = arith.constant 0 : i32
        %dma_wait3A_204 = tpu.memref_slice %dma_wait3A_202[%dma_wait3A_189, %dma_wait3A_203] : memref<64x4096xf32, #tpu.memory_space<hbm>> -> memref<1x4096xf32, #tpu.memory_space<hbm>>
        %dma_wait3A_205 = tpu.memref_squeeze %dma_wait3A_204 : memref<1x4096xf32, #tpu.memory_space<hbm>> -> memref<4096xf32, #tpu.memory_space<hbm>>
        %dma_wait3A_206 = arith.constant 0 : i32
        %dma_wait3A_207 = tpu.memref_slice %arg7[%dma_wait3A_206] : memref<8192xf32, #tpu.memory_space<vmem>> -> memref<4096xf32, #tpu.memory_space<vmem>>
        tpu.wait_dma2 semaphore(%arg10 : memref<!tpu.dma_semaphore, #tpu.memory_space<semaphore_mem>>) src(%dma_wait3A_207 : memref<4096xf32, #tpu.memory_space<vmem>>) dst(%dma_wait3A_205 : memref<4096xf32, #tpu.memory_space<hbm>>)
      } else {
      }
      %parallel_loop3A = arith.constant 0 : i32
      %parallel_loop3A_167 = arith.constant 4096 : i32
      %parallel_loop3A_168 = arith.constant 16 : i32
      scf.for %parallel_loop3A_188 = %parallel_loop3A to %parallel_loop3A_167 step %parallel_loop3A_168  : i32 {
        %parallel_loop3A_189 = arith.addi %mul3A_148, %parallel_loop3A_188 : i32
        %parallel_loop3A_190 = arith.index_cast %parallel_loop3A_189 : i32 to index
        %parallel_loop3A_191 = tpu.vector_load %arg6[%parallel_loop3A_190] {strides = array<i32>} : memref<8192xi32, #tpu.memory_space<vmem>>, vector<16xi32>,
        %parallel_loop3A_192 = tpu.vector_load_idx %arg5[%parallel_loop3A_191] : memref<100000xf32, #tpu.memory_space<vmem>>[vector<16xi32>], vector<16xf32>,
        %parallel_loop3A_193 = arith.addi %mul3A_150, %parallel_loop3A_188 : i32
        %parallel_loop3A_194 = arith.index_cast %parallel_loop3A_193 : i32 to index
        %parallel_loop3A_195 = tpu.vector_load %arg7[%parallel_loop3A_194] {strides = array<i32>} : memref<8192xf32, #tpu.memory_space<vmem>>, vector<16xf32>,
        tpu.vector_store %arg7[%parallel_loop3A_194], %parallel_loop3A_192 {strides = array<i32>} : memref<8192xf32, #tpu.memory_space<vmem>>, vector<16xf32>,
      } {sc.loop_unroll_factor = 32 : i64, sc.parallel_access}
      %dma_start3A_169 = tpu.memref_slice %arg7[%mul3A_150] : memref<8192xf32, #tpu.memory_space<vmem>> -> memref<4096xf32, #tpu.memory_space<vmem>>
      %dma_start3A_170 = arith.constant 0 : i32
      %dma_start3A_171 = arith.constant 0 : i32
      %dma_start3A_172 = tpu.memref_slice %arg4[%scan3A_144, %dma_start3A_170, %dma_start3A_171] : memref<50x64x4096xf32, #tpu.memory_space<hbm>> -> memref<1x64x4096xf32, #tpu.memory_space<hbm>>
      %dma_start3A_173 = tpu.memref_squeeze %dma_start3A_172 : memref<1x64x4096xf32, #tpu.memory_space<hbm>> -> memref<64x4096xf32, #tpu.memory_space<hbm>>
      %dma_start3A_174 = arith.constant 0 : i32
      %dma_start3A_175 = tpu.memref_slice %dma_start3A_173[%add3A_81, %dma_start3A_174] : memref<64x4096xf32, #tpu.memory_space<hbm>> -> memref<1x4096xf32, #tpu.memory_space<hbm>>
      %dma_start3A_176 = tpu.memref_squeeze %dma_start3A_175 : memref<1x4096xf32, #tpu.memory_space<hbm>> -> memref<4096xf32, #tpu.memory_space<hbm>>
      %dma_start3A_177 = arith.constant 0 : i32
      %dma_start3A_178 = arith.constant 0 : i32
      %dma_start3A_179 = tpu.memref_slice %arg4[%scan3A_144, %dma_start3A_177, %dma_start3A_178] : memref<50x64x4096xf32, #tpu.memory_space<hbm>> -> memref<1x64x4096xf32, #tpu.memory_space<hbm>>
      %dma_start3A_180 = tpu.memref_squeeze %dma_start3A_179 : memref<1x64x4096xf32, #tpu.memory_space<hbm>> -> memref<64x4096xf32, #tpu.memory_space<hbm>>
      %dma_start3A_181 = arith.constant 0 : i32
      %dma_start3A_182 = tpu.memref_slice %dma_start3A_180[%add3A_81, %dma_start3A_181] : memref<64x4096xf32, #tpu.memory_space<hbm>> -> memref<1x4096xf32, #tpu.memory_space<hbm>>
      %dma_start3A_183 = tpu.memref_squeeze %dma_start3A_182 : memref<1x4096xf32, #tpu.memory_space<hbm>> -> memref<4096xf32, #tpu.memory_space<hbm>>
      %dma_start3A_184 = tpu.memref_slice %arg7[%mul3A_150] : memref<8192xf32, #tpu.memory_space<vmem>> -> memref<4096xf32, #tpu.memory_space<vmem>>
      tpu.enqueue_dma source(%dma_start3A_184 : memref<4096xf32, #tpu.memory_space<vmem>>) target(%dma_start3A_183 : memref<4096xf32, #tpu.memory_space<hbm>>) target_semaphore(%arg10 : memref<!tpu.dma_semaphore, #tpu.memory_space<semaphore_mem>>)
      %sub3A = arith.constant 1 : i32
      %sub3A_185 = arith.subi %sub3A, %scan3A_145 : i32
      %sub3A_186 = arith.constant 1 : i32
      %sub3A_187 = arith.subi %sub3A_186, %scan3A_146 : i32
      scf.yield %sub3A_185, %sub3A_187 : i32, i32
    }
    %scan3A_103 = arith.constant 50 : i32
    %dma_wait3A_104 = arith.constant 0 : i32
    %dma_wait3A_105 = arith.constant 0 : i32
    %dma_wait3A_106 = arith.constant 0 : i32
    %dma_wait3A_107 = tpu.memref_slice %arg7[%dma_wait3A_106] : memref<8192xf32, #tpu.memory_space<vmem>> -> memref<4096xf32, #tpu.memory_space<vmem>>
    %dma_wait3A_108 = arith.constant 0 : i32
    %dma_wait3A_109 = arith.constant 0 : i32
    %dma_wait3A_110 = tpu.memref_slice %arg4[%dma_wait3A_104, %dma_wait3A_108, %dma_wait3A_109] : memref<50x64x4096xf32, #tpu.memory_space<hbm>> -> memref<1x64x4096xf32, #tpu.memory_space<hbm>>
    %dma_wait3A_111 = tpu.memref_squeeze %dma_wait3A_110 : memref<1x64x4096xf32, #tpu.memory_space<hbm>> -> memref<64x4096xf32, #tpu.memory_space<hbm>>
    %dma_wait3A_112 = arith.constant 0 : i32
    %dma_wait3A_113 = tpu.memref_slice %dma_wait3A_111[%dma_wait3A_105, %dma_wait3A_112] : memref<64x4096xf32, #tpu.memory_space<hbm>> -> memref<1x4096xf32, #tpu.memory_space<hbm>>
    %dma_wait3A_114 = tpu.memref_squeeze %dma_wait3A_113 : memref<1x4096xf32, #tpu.memory_space<hbm>> -> memref<4096xf32, #tpu.memory_space<hbm>>
    %dma_wait3A_115 = arith.constant 0 : i32
    %dma_wait3A_116 = arith.constant 0 : i32
    %dma_wait3A_117 = tpu.memref_slice %arg4[%dma_wait3A_104, %dma_wait3A_115, %dma_wait3A_116] : memref<50x64x4096xf32, #tpu.memory_space<hbm>> -> memref<1x64x4096xf32, #tpu.memory_space<hbm>>
    %dma_wait3A_118 = tpu.memref_squeeze %dma_wait3A_117 : memref<1x64x4096xf32, #tpu.memory_space<hbm>> -> memref<64x4096xf32, #tpu.memory_space<hbm>>
    %dma_wait3A_119 = arith.constant 0 : i32
    %dma_wait3A_120 = tpu.memref_slice %dma_wait3A_118[%dma_wait3A_105, %dma_wait3A_119] : memref<64x4096xf32, #tpu.memory_space<hbm>> -> memref<1x4096xf32, #tpu.memory_space<hbm>>
    %dma_wait3A_121 = tpu.memref_squeeze %dma_wait3A_120 : memref<1x4096xf32, #tpu.memory_space<hbm>> -> memref<4096xf32, #tpu.memory_space<hbm>>
    %dma_wait3A_122 = arith.constant 0 : i32
    %dma_wait3A_123 = tpu.memref_slice %arg7[%dma_wait3A_122] : memref<8192xf32, #tpu.memory_space<vmem>> -> memref<4096xf32, #tpu.memory_space<vmem>>
    tpu.wait_dma2 semaphore(%arg10 : memref<!tpu.dma_semaphore, #tpu.memory_space<semaphore_mem>>) src(%dma_wait3A_123 : memref<4096xf32, #tpu.memory_space<vmem>>) dst(%dma_wait3A_121 : memref<4096xf32, #tpu.memory_space<hbm>>)
    %dma_wait3A_124 = arith.constant 0 : i32
    %dma_wait3A_125 = arith.constant 0 : i32
    %dma_wait3A_126 = arith.constant 0 : i32
    %dma_wait3A_127 = tpu.memref_slice %arg7[%dma_wait3A_126] : memref<8192xf32, #tpu.memory_space<vmem>> -> memref<4096xf32, #tpu.memory_space<vmem>>
    %dma_wait3A_128 = arith.constant 0 : i32
    %dma_wait3A_129 = arith.constant 0 : i32
    %dma_wait3A_130 = tpu.memref_slice %arg4[%dma_wait3A_124, %dma_wait3A_128, %dma_wait3A_129] : memref<50x64x4096xf32, #tpu.memory_space<hbm>> -> memref<1x64x4096xf32, #tpu.memory_space<hbm>>
    %dma_wait3A_131 = tpu.memref_squeeze %dma_wait3A_130 : memref<1x64x4096xf32, #tpu.memory_space<hbm>> -> memref<64x4096xf32, #tpu.memory_space<hbm>>
    %dma_wait3A_132 = arith.constant 0 : i32
    %dma_wait3A_133 = tpu.memref_slice %dma_wait3A_131[%dma_wait3A_125, %dma_wait3A_132] : memref<64x4096xf32, #tpu.memory_space<hbm>> -> memref<1x4096xf32, #tpu.memory_space<hbm>>
    %dma_wait3A_134 = tpu.memref_squeeze %dma_wait3A_133 : memref<1x4096xf32, #tpu.memory_space<hbm>> -> memref<4096xf32, #tpu.memory_space<hbm>>
    %dma_wait3A_135 = arith.constant 0 : i32
    %dma_wait3A_136 = arith.constant 0 : i32
    %dma_wait3A_137 = tpu.memref_slice %arg4[%dma_wait3A_124, %dma_wait3A_135, %dma_wait3A_136] : memref<50x64x4096xf32, #tpu.memory_space<hbm>> -> memref<1x64x4096xf32, #tpu.memory_space<hbm>>
    %dma_wait3A_138 = tpu.memref_squeeze %dma_wait3A_137 : memref<1x64x4096xf32, #tpu.memory_space<hbm>> -> memref<64x4096xf32, #tpu.memory_space<hbm>>
    %dma_wait3A_139 = arith.constant 0 : i32
    %dma_wait3A_140 = tpu.memref_slice %dma_wait3A_138[%dma_wait3A_125, %dma_wait3A_139] : memref<64x4096xf32, #tpu.memory_space<hbm>> -> memref<1x4096xf32, #tpu.memory_space<hbm>>
    %dma_wait3A_141 = tpu.memref_squeeze %dma_wait3A_140 : memref<1x4096xf32, #tpu.memory_space<hbm>> -> memref<4096xf32, #tpu.memory_space<hbm>>
    %dma_wait3A_142 = arith.constant 0 : i32
    %dma_wait3A_143 = tpu.memref_slice %arg7[%dma_wait3A_142] : memref<8192xf32, #tpu.memory_space<vmem>> -> memref<4096xf32, #tpu.memory_space<vmem>>
    tpu.wait_dma2 semaphore(%arg10 : memref<!tpu.dma_semaphore, #tpu.memory_space<semaphore_mem>>) src(%dma_wait3A_143 : memref<4096xf32, #tpu.memory_space<vmem>>) dst(%dma_wait3A_141 : memref<4096xf32, #tpu.memory_space<hbm>>)
    return
  }
}

</mosaic_0001>

<sc_bundles>
// kernel: kernel.3.cloned.1.call-start
scs
__scs_entry_jumppad:
0x0: {  	(pc) =	sbr.rel $0x88, $3  }
0x1: {  	(tag) =	ssettag $0x0;
	lr =	simm.s32 $0x1  }
0x2: {  	[smem:$0x3F9F] =	sst lr;
	_ =	strace $0xD0000000  }
0x3: {  	_ = 	snop  }
0x4: {  	_ = 	snop  }
0x5: {  	_ = 	snop  }
0x6: {  	_ = 	snop  }
0x7: {  	_ = 	snop  }
__scs_overlays_trampoline_lowered:
0x8: {  	[smem:$0x3FAE] =	sst s0  }
0x9: {  	[smem:$0x3FAF] =	sst s1  }
0xa: {  	[smem:$0x3FB0] =	sst s2  }
0xb: {  	[smem:$0x3FB1] =	sst s3  }
0xc: {  	[smem:$0x3FB2] =	sst s4  }
0xd: {  	[smem:$0x3FB3] =	sst s5  }
0xe: {  	[smem:$0x3FB4] =	sst s6  }
0xf: {  	[smem:$0x3FB5] =	sst s7  }
0x10: {  	[smem:$0x3FB6] =	sst s8  }
0x11: {  	[smem:$0x3FB7] =	sst s9;
	s0 =	simm.s32 @!p0 $0x0  }
0x12: {  	s1 =	sld [smem:$0x3F9D];
	s0 =	simm.s32 @p0 $0x1  }
0x13: {  	[smem:$0x3FB8] =	sst s0;
	s0 =	simm.s32 @!p1 $0x0  }
0x14: {  	s2 =	sld [smem:$0x3F9C];
	s0 =	simm.s32 @p1 $0x1  }
0x15: {  	[smem:$0x3FB9] =	sst s0;
	s0 =	simm.s32 @!p2 $0x0  }
0x16: {  	s3 =	sld [smem:$0x3FDB];
	s0 =	simm.s32 @p2 $0x1  }
0x17: {  	s4 =	simm.s32 $0x1BF5;
	[smem:$0x3FBB] =	sst s0  }
0x18: {  	s0 =	sld [smem:$0x3F9E];
	_ =	swait.ge [sflag:s4], $0x0  }
0x19: {  	s7 =	sld [smem:$0x3F9F]  }
0x1a: {  	s8 =	sadd.s32 $0xFFFFE003, lr  }
0x1b: {  	s9 =	sadd.s32 $0xFFFFFEF7, lr;
	s5 =	simm.s32 $0xFFFFFFFF;
	p2 =	slt.u32 s8, $0xFFFFF086  }
0x1c: {  	p1 =	slt.u32 s9, $0xF7A;
	s5 =	simm.s32 @!p2 $0x0  }
0x1d: {  	s5 =	simm.s32 @p1 $0x1;
	p0 =	seq.s32 s7, s2  }
0x1e: {  	s7 =	smul.u32 @!p0 $0xF7A, s2;
	p2 =	seq.s32 @!p0 s5, $0x0  }
0x1f: {  	s9 =	smul.u32 $0xF7A, s1;
	s8 =	simm.s32 @!p0 $0x1BF5;
	p2 =	por !p2, p0  }
0x20: {  	[sflag:s8] =	ssyncset.s32 @!p0 $0xFFFFF086;
	s6 =	sadd.s32 @!p0 s3, s7;
	s7 =	simm.s32 @!p0 $0x108  }
0x21: {  	s3 =	sadd.s32 s3, s9;
	s6 =	sadd.s32 @!p0 $0x88, s6;
	s7 =	simm.s32 @p2 $0x1082  }
0x22: {  	[simem:s7], [sflag:s8] =	dma.local @!p0 [hbm:s6], $0xF7A  }
0x23: {  	s9 =	sor.u32 $0xD0000000, s2;
	s6 =	simm.s32 $0x108;
	_ =	swait.ge @!p0 [sflag:s8], $0x0  }
0x24: {  	s3 =	sadd.s32 $0x88, s3;
	s6 =	simm.s32 @!p1 $0x1082;
	[sflag:s4] =	ssyncset.s32 $0xFFFFF086  }
0x25: {  	[simem:s6], [sflag:s4] =	dma.local [hbm:s3], $0xF7A  }
0x26: {  	[smem:$0x3F9F] =	sst s1;
	(tag) =	ssettag s2;
	_ =	strace s9  }
0x27: {  	s1 =	sld [smem:$0x3FAF]  }
0x28: {  	s2 =	sld [smem:$0x3FB0]  }
0x29: {  	s4 =	sld [smem:$0x3FB2]  }
0x2a: {  	p0 =	seq.s32 s5, $0x0;
	s5 =	sld [smem:$0x3FB3]  }
0x2b: {  	s6 =	sld [smem:$0x3FB4]  }
0x2c: {  	s7 =	sld [smem:$0x3FB5]  }
0x2d: {  	s3 =	simm.s32 $0x108;
	s8 =	sld [smem:$0x3FB6]  }
0x2e: {  	s3 =	simm.s32 @!p0 $0x1082;
	s9 =	sld [smem:$0x3FB7]  }
0x2f: {  	lr =	sadd.s32 s0, s3;
	s0 =	sld [smem:$0x3FAE]  }
0x30: {  	s3 =	sld [smem:$0x3FB1]  }
0x31: {  	[smem:$0x3FBA] =	sst s10  }
0x32: {  	s10 =	sld [smem:$0x3FB8];
	_ =	sdelay $0x3  }
0x33: {  	p0 =	seq.s32 s10, $0x1;
	s10 =	sld [smem:$0x3FBA];
	_ =	sdelay $0x3  }
0x34: {  	[smem:$0x3FBA] =	sst s10  }
0x35: {  	s10 =	sld [smem:$0x3FB9];
	_ =	sdelay $0x3  }
0x36: {  	p1 =	seq.s32 s10, $0x1;
	s10 =	sld [smem:$0x3FBA];
	_ =	sdelay $0x3  }
0x37: {  	[smem:$0x3FBA] =	sst s10  }
0x38: {  	s10 =	sld [smem:$0x3FBB]  }
0x39: {  	_ = 	snop;
	(pc) =	sbr.ind lr, $3  }
0x3a: {  	_ = 	snop  }
0x3b: {  	_ = 	snop  }
0x3c: {  	p2 =	seq.s32 s10, $0x1;
	s10 =	sld [smem:$0x3FBA]  }
0x3d: {  	_ =	shalt  }
0x3e: {  	_ =	shalt  }
0x3f: {  	_ =	shalt  }
0x40: {  	_ =	shalt  }
0x41: {  	_ =	shalt  }
0x42: {  	_ =	shalt  }
0x43: {  	_ =	shalt  }
0x44: {  	_ =	shalt  }
0x45: {  	_ =	shalt  }
0x46: {  	_ =	shalt  }
0x47: {  	_ =	shalt  }
0x48: {  	_ =	shalt  }
0x49: {  	_ =	shalt  }
0x4a: {  	_ =	shalt  }
0x4b: {  	_ =	shalt  }
0x4c: {  	_ =	shalt  }
0x4d: {  	_ =	shalt  }
0x4e: {  	_ =	shalt  }
0x4f: {  	_ =	shalt  }
0x50: {  	_ =	shalt  }
0x51: {  	_ =	shalt  }
0x52: {  	_ =	shalt  }
0x53: {  	_ =	shalt  }
0x54: {  	_ =	shalt  }
0x55: {  	_ =	shalt  }
0x56: {  	_ =	shalt  }
0x57: {  	_ =	shalt  }
0x58: {  	_ =	shalt  }
0x59: {  	_ =	shalt  }
0x5a: {  	_ =	shalt  }
0x5b: {  	_ =	shalt  }
0x5c: {  	_ =	shalt  }
0x5d: {  	_ =	shalt  }
0x5e: {  	_ =	shalt  }
0x5f: {  	_ =	shalt  }
0x60: {  	_ =	shalt  }
0x61: {  	_ =	shalt  }
0x62: {  	_ =	shalt  }
0x63: {  	_ =	shalt  }
0x64: {  	_ =	shalt  }
0x65: {  	_ =	shalt  }
0x66: {  	_ =	shalt  }
0x67: {  	_ =	shalt  }
0x68: {  	_ =	shalt  }
0x69: {  	_ =	shalt  }
0x6a: {  	_ =	shalt  }
0x6b: {  	_ =	shalt  }
0x6c: {  	_ =	shalt  }
0x6d: {  	_ =	shalt  }
0x6e: {  	_ =	shalt  }
0x6f: {  	_ =	shalt  }
0x70: {  	_ =	shalt  }
0x71: {  	_ =	shalt  }
0x72: {  	_ =	shalt  }
0x73: {  	_ =	shalt  }
0x74: {  	_ =	shalt  }
0x75: {  	_ =	shalt  }
0x76: {  	_ =	shalt  }
0x77: {  	_ =	shalt  }
0x78: {  	_ =	shalt  }
0x79: {  	_ =	shalt  }
0x7a: {  	_ =	shalt  }
0x7b: {  	_ =	shalt  }
0x7c: {  	_ =	shalt  }
0x7d: {  	_ =	shalt  }
0x7e: {  	_ =	shalt  }
0x7f: {  	_ =	shalt  }
0x80: {  	_ =	shalt  }
0x81: {  	_ =	shalt  }
0x82: {  	_ =	shalt  }
0x83: {  	_ =	shalt  }
0x84: {  	_ =	shalt  }
0x85: {  	_ =	shalt  }
0x86: {  	_ =	shalt  }
0x87: {  	_ =	shalt  }
.Lfunc_end0:
.L_simem_size_0:
called_computation_lowered:
.L_overlay_start_0:
0x88: {  	s2 =	sld [smem:$0x3FD9]  }
0x89: {  	s3 =	sld [smem:$0x3FFE];
	_ =	sdelay $0x1  }
0x8a: {  	s1 =	srdreg.scid  }
0x8b: {  	s0 =	sand.u32 $0x1, s1  }
0x8c: {  	s17 =	sshll.u32 s0, $0xA;
	s2 =	sadd.s32 s3, s2  }
0x8d: {  	s2 =	sadd.s32 s2, s17  }
0x8e: {  	[smem:$0x3FC6] =	sst s2  }
0x8f: {  	_ = 	snop  }
0x90: {  	s2 =	sld [smem:$0x3FC8]  }
0x91: {  	s18 =	sld [smem:$0x3FD0];
	(tm) =	ssettm $0x1  }
0x92: {  	s4 =	sld [smem:$0x3FFB];
	_ =	sdelay $0x3  }
0x93: {  	_ =	strace s4  }
0x94: {  	s4 =	sld [smem:$0x3FFC];
	_ =	sdelay $0x3  }
0x95: {  	_ =	strace s4  }
0x96: {  	s4 =	sld [smem:$0x3FFD];
	_ =	sdelay $0x3  }
0x97: {  	_ =	strace s4  }
0x98: {  	_ =	strace $0x8FFFFFFF  }
0x99: {  	s19 =	sld [smem:$0x3FDB];
	_ =	sdelay $0x1  }
0x9a: {  	s5 =	simm.s32 $_scs_section_size  }
0x9b: {  	s6 =	simm.s32 $_size__tile_overlayer_lowered;
	s7 =	simm.s32 $_tile_overlayer_lowered  }
0x9c: {  	s22 =	simm.s32 $0x1BFF;
	s21 =	sshll.u32 s7, $0x1;
	s4 =	sadd.s32 s5, s19  }
0x9d: {  	s8 =	simm.s32 $0x0;
	s20 =	sshll.u32 s6, $0x1;
	s6 =	sadd.s32 s21, s4  }
0x9e: {  	[timem:s8], [sflag:s22] =	dma.local [hbm:s6], s20  }
0x9f: {  	_ =	swait.ge [sflag:s22], s20  }
0xa0: {  	s5 =	ssub.s32 $0x0, s20;
	[sflag:s22] =	ssyncset.done $0x0  }
0xa1: {  	[sflag:s22] =	ssyncadd.s32 s5;
	_ =	sdelay $0x1  }
0xa2: {  	s23 =	simm.s32 $0x1B8B  }
0xa3: {  	_ =	swait.ge [sflag:s23], $0x1  }
0xa4: {  	[sflag:s23] =	ssyncset.done $0x0  }
0xa5: {  	s25 =	simm.s32 $0x1B8E;
	s24 =	sld [smem:$0x3FFE];
	[sflag:s23] =	ssyncadd.s32 $0xFFFFFFFF  }
0xa6: {  	s26 =	simm.s32 $execute0_lowered;
	[smem:$0x3FD2] =	sst s25  }
0xa7: {  	s6 =	sshll.u32 s26, $0x1;
	_ =	strace $0x80000046;
	[dreg:$0x1] =	wrdreg $0xFFFFFFFF  }
0xa8: {  	s28 =	simm.s32 $_size_execute0_lowered;
	s4 =	sadd.s32 s4, s6;
	[dreg:$0x0] =	wrdreg $0x0  }
0xa9: {  	s6 =	sshll.u32 s28, $0x1;
	[dreg:$0x2] =	wrdreg s4  }
0xaa: {  	[dreg:$0x3] =	wrdreg s6  }
0xab: {  	[dreg:$0x4] =	wrdreg $0xC0  }
0xac: {  	_ =	task [dreg:s8], $0x5FFFF  }
0xad: {  	[dreg:$0x1] =	wrdreg $0xFFFFFFFF  }
0xae: {  	[dreg:$0x0] =	wrdreg $0x60  }
0xaf: {  	[dreg:$0x2] =	wrdreg s24  }
0xb0: {  	[dreg:$0x3] =	wrdreg s2  }
0xb1: {  	[dreg:$0x4] =	wrdreg s18  }
0xb2: {  	[dreg:$0x5] =	wrdreg $0x1C7000  }
0xb3: {  	[dreg:$0x6] =	wrdreg $0x9  }
0xb4: {  	_ =	task.clear_ibuf [dreg:s8], $0x7FFFF;
	_ =	strace $0x90000046  }
0xb5: {  	s29 =	simm.s32 $0x9;
	_ =	strace $0x80000048  }
0xb6: {  	_ =	swait.ge [sflag:s29], $0x1  }
0xb7: {  	[sflag:s29] =	ssyncadd.s32 $0xFFFFFFFF  }
0xb8: {  	_ =	strace $0x90000048  }
0xb9: {  	_ =	sfence  }
0xba: {  	s30 =	sld [smem:$0x0];
	_ =	sdelay $0x2  }
0xbb: {  	s31 =	sshll.u32 s1, $0xD;
	s1 =	sshrl.u32 s1, $0x2  }
0xbc: {  	s3 =	sand.u32 $0x4000, s31;
	s1 =	sadd.s32 s1, s30  }
0xbd: {  	s0 =	sor.u32 s3, s0;
	s1 =	sshll.u32 s1, $0x11  }
0xbe: {  	s0 =	sor.u32 s1, s0  }
0xbf: {  	s0 =	sadd.s32 $0x8F2B, s0  }
0xc0: {  	[sflag:s0] =	ssyncadd.remote.s32 $0x1  }
0xc1: {  	_ =	sfence.sel $0xFFFF  }
0xc2: {  	[dreg:$0x0] =	wrdreg $0xFFFFFFFF;
	(pc) =	sbr.abs _section_cstart, $3  }
0xc3: {  	[dreg:$0x1] =	wrdreg $0xFFFFFFFF  }
0xc4: {  	_ =	task.clear_ibuf [dreg:s8], $0x2FFFF;
	_ =	strace $0x9FFFFFFF  }
0xc5: {  	(tm) =	ssettm $0x7FFFFFFF  }
tec
execute0_lowered:
.L_overlay_start_1:
0x0: {  	(tag) =	ssettag $0x1  }
0x1: {  	s5 =	rddreg [dreg:$0x0]  }
0x2: {  	s9 =	rddreg [dreg:$0x1]  }
0x3: {  	s1 =	rddreg [dreg:$0x2]  }
0x4: {  	s3 =	rddreg [dreg:$0x3]  }
0x5: {  	s0 =	rddreg [dreg:$0x4];
	s4 =	simm.s32 $0x0  }
0x6: {  	s2 =	stileid.u32;
	s7 =	srdreg.scid;
	s16 =	simm.s32 $0x18700  }
0x7: {  	s17 =	simm.s32 $0x3;
	s18 =	simm.s32 $0x1;
	s19 =	simm.s32 $0x2  }
0x8: {  	s20 =	simm.s32 $0x0;
	[smem:$0x7FF] =	sst s4;
	s6 =	smul.u32 $0x3200, s2  }
0x9: {  	s7 =	sand.u32 $0x1, s7;
	s8 =	sshrl.u32 s2, $0x2;
	s10 =	sshll.u32 s2, $0x8  }
0xa: {  	s30 =	sshll.u32 s2, $0x6;
	s11 =	sshll.u32 s7, $0x7;
	s10 =	sand.u32 $0x300, s10  }
0xb: {  	s12 =	smul.u32 $0xC3800, s8;
	_ =	strace $0x80000047;
	s7 =	ssub.s32 $0x2, s7  }
0xc: {  	s29 =	sor.u32 $0x4, s8;
	s8 =	sshll.u32 s8, $0xF;
	s10 =	sor.u32 s11, s10  }
0xd: {  	s26 =	sshrl.u32 s6, $0x3;
	s28 =	sshrl.u32 s7, $0x1;
	s14 =	sadd.s32 s6, s3  }
0xe: {  	s15 =	smul.u32 $0xC3800, s29;
	s12 =	sor.u32 s12, s10;
	s11 =	sadd.s32 s26, s5  }
0xf: {  	s13 =	ssub.s32 s7, s28;
	s7 =	sor.u32 $0x1C04, s30;
	s8 =	sor.u32 s8, s10  }
0x10: {  	s14 =	sshrl.u32 s14, $0x3;
	s12 =	sshrl.u32 s12, $0x3;
	s6 =	sadd.s32 $0x400, s11  }
0x11: {  	s31 =	sor.u32 s10, s15;
	s8 =	sshrl.u32 s8, $0x3;
	s15 =	simm.s32 $0x4  }
0x12: {  	s5 =	sadd.s32 s9, s12;
	s12 =	sshll.u32 s29, $0xF;
	s11 =	sshrl.u32 s31, $0x3  }
0x13: {  	s10 =	sor.u32 s10, s12;
	s9 =	sadd.s32 s9, s11;
	s11 =	smax.u32 s13, $0x1  }
0x14: {  	s12 =	simm.s32 $0x80;
	s13 =	simm.s32 $0x400;
	s10 =	sshrl.u32 s10, $0x3  }
.LBB2_1:
0x15: {  	[tilespmem:s4], [sflag:$0x3] =	stream.strided.gather [hbm4b:s5+s12], $0x18700, s13, s12, $0x38;
	[tilespmem:$0x1F900] =	vst v63  }
0x16: {  	[spmem:s14], [sflag:s7] =	dma.local [hbm:s6], $0x640  }
0x17: {  	_ =	swait.ge [sflag:s15], $0x640  }
0x18: {  	[sflag:s15] =	ssyncset.done $0x0  }
0x19: {  	[sflag:s15] =	ssyncadd.s32 $0xFFFFF9C0  }
0x1a: {  	[bflag:$0x0] =	sbarrier.arrive $0xFFFF  }
0x1b: {  	[tilespmem:s16], [sflag:$0x1] =	stream.linear.gather [spmem:s3], $0x1000, $0x38;
	[tilespmem:$0x1F900] =	vst v63  }
0x1c: {  	_ =	swait.ge [sflag:s17], $0x18700  }
0x1d: {  	s21 =	simm.s32 $0x0;
	[sflag:s17] =	ssyncset.done $0x0  }
0x1e: {  	s22 =	simm.s32 $0x0;
	s24 =	simm.s32 $0x0;
	[sflag:s17] =	ssyncadd.s32 $0xFFFE7900  }
.LBB2_2:
0x1f: {  	s23 =	sadd.s32 $0x1, s24;
	p0 =	seq.s32 s24, $0x31  }
0x20: {  	s25 =	sshll.u32 @!p0 s23, $0xC  }
0x21: {  	s26 =	sshll.u32 s22, $0xC;
	s25 =	sand.u32 @!p0 $0x3FFFF000, s25  }
0x22: {  	s26 =	ssub.s32 @!p0 $0x19700, s26;
	s25 =	sadd.s32 @!p0 s25, s3  }
0x23: {  	[tilespmem:s26], [sflag:$0x1] =	stream.linear.gather @!p0 [spmem:s25], $0x1000, $0x38;
	[tilespmem:$0x1F900] =	vst v63  }
0x24: {  	_ =	swait.ge [sflag:s18], $0x1000  }
0x25: {  	p0 =	slt.u32 s24, $0x2;
	[sflag:s18] =	ssyncset.done $0x0  }
0x26: {  	s25 =	simm.s32 @!p0 $0x2;
	[sflag:s18] =	ssyncadd.s32 $0xFFFFF000  }
0x27: {  	s31 =	sshll.u32 s22, $0xE;
	_ =	swait.ge @!p0 [sflag:s25], $0x1000  }
0x28: {  	s26 =	sshra.s32 s31, $0x2;
	[sflag:s25] =	ssyncset.done @!p0 $0x0  }
0x29: {  	s29 =	sadd.s32 $0x18800, s26;
	[sflag:s25] =	ssyncadd.s32 @!p0 $0xFFFFF000  }
0x2a: {  	v0 =	vld [tilespmem:s29+$0xF0]  }
0x2b: {  	v1 =	vld [tilespmem:s29+$0xFFFFFF10]  }
0x2c: {  	v2 =	vld [tilespmem:s29+$0xFFFFFF20]  }
0x2d: {  	v3 =	vld [tilespmem:s29+$0xFFFFFF30]  }
0x2e: {  	v4 =	vld [tilespmem:s29+$0xFFFFFF40]  }
0x2f: {  	v5 =	vld [tilespmem:s29+$0xFFFFFF50]  }
0x30: {  	v6 =	vld [tilespmem:s29+$0xFFFFFF60]  }
0x31: {  	v7 =	vld [tilespmem:s29+$0xFFFFFF70]  }
0x32: {  	v8 =	vld [tilespmem:s29+$0xFFFFFF80]  }
0x33: {  	v9 =	vld [tilespmem:s29+$0xFFFFFF90]  }
0x34: {  	v10 =	vld [tilespmem:s29+$0xFFFFFFA0]  }
0x35: {  	v11 =	vld [tilespmem:s29+$0xFFFFFFB0]  }
0x36: {  	v12 =	vld [tilespmem:s29+$0xFFFFFFC0]  }
0x37: {  	v13 =	vld [tilespmem:s29+$0xFFFFFFD0]  }
0x38: {  	v14 =	vld [tilespmem:s29+$0xFFFFFFE0]  }
0x39: {  	v15 =	vld [tilespmem:s29+$0xFFFFFFF0]  }
0x3a: {  	v16 =	vld [tilespmem:s29+$0x0]  }
0x3b: {  	v17 =	vld [tilespmem:s29+$0x10]  }
0x3c: {  	v18 =	vld [tilespmem:s29+$0x20]  }
0x3d: {  	v19 =	vld [tilespmem:s29+$0x30]  }
0x3e: {  	v20 =	vld [tilespmem:s29+$0x40]  }
0x3f: {  	v21 =	vld [tilespmem:s29+$0x50]  }
0x40: {  	v22 =	vld [tilespmem:s29+$0x60]  }
0x41: {  	v23 =	vld [tilespmem:s29+$0x70]  }
0x42: {  	v24 =	vld [tilespmem:s29+$0x80]  }
0x43: {  	v25 =	vld [tilespmem:s29+$0x90]  }
0x44: {  	v26 =	vld [tilespmem:s29+$0xA0]  }
0x45: {  	v27 =	vld [tilespmem:s29+$0xB0]  }
0x46: {  	v28 =	vld [tilespmem:s29+$0xC0]  }
0x47: {  	v29 =	vld [tilespmem:s29+$0xD0]  }
0x48: {  	v30 =	vld [tilespmem:s29+$0xE0]  }
0x49: {  	v31 =	vld [tilespmem:s29+$0xFFFFFF00]  }
0x4a: {  	v0 =	vld.idx.msk [tilespmem:v0+s4+$0x0], $0xffff  }
0x4b: {  	v1 =	vld.idx.msk [tilespmem:v1+s4+$0x0], $0xffff  }
0x4c: {  	v2 =	vld.idx.msk [tilespmem:v2+s4+$0x0], $0xffff  }
0x4d: {  	s30 =	sshll.u32 s21, $0xE;
	v3 =	vld.idx.msk [tilespmem:v3+s4+$0x0], $0xffff  }
0x4e: {  	s31 =	sshra.s32 s30, $0x2;
	v4 =	vld.idx.msk [tilespmem:v4+s4+$0x0], $0xffff  }
0x4f: {  	s25 =	sadd.s32 $0x1A800, s31;
	v5 =	vld.idx.msk [tilespmem:v5+s4+$0x0], $0xffff  }
0x50: {  	[tilespmem:s25+$0xF0] =	vst v0;
	v0 =	vld.idx.msk [tilespmem:v6+s4+$0x0], $0xffff  }
0x51: {  	[tilespmem:s25+$0xFFFFFF10] =	vst v1;
	v1 =	vld.idx.msk [tilespmem:v7+s4+$0x0], $0xffff  }
0x52: {  	v6 =	vld.idx.msk [tilespmem:v31+s4+$0x0], $0xffff;
	[tilespmem:s25+$0xFFFFFF20] =	vst v2  }
0x53: {  	[tilespmem:s25+$0xFFFFFF30] =	vst v3;
	v2 =	vld.idx.msk [tilespmem:v8+s4+$0x0], $0xffff  }
0x54: {  	[tilespmem:s25+$0xFFFFFF40] =	vst v4;
	v3 =	vld.idx.msk [tilespmem:v9+s4+$0x0], $0xffff  }
0x55: {  	[tilespmem:s25+$0xFFFFFF50] =	vst v5;
	v4 =	vld.idx.msk [tilespmem:v10+s4+$0x0], $0xffff  }
0x56: {  	v5 =	vld.idx.msk [tilespmem:v13+s4+$0x0], $0xffff;
	[tilespmem:s25+$0xFFFFFF60] =	vst v0  }
0x57: {  	v7 =	vld.idx.msk [tilespmem:v24+s4+$0x0], $0xffff;
	[tilespmem:s25+$0xFFFFFF70] =	vst v1  }
0x58: {  	v0 =	vld.idx.msk [tilespmem:v11+s4+$0x0], $0xffff;
	[tilespmem:s25+$0xFFFFFF00] =	vst v6  }
0x59: {  	v1 =	vld.idx.msk [tilespmem:v12+s4+$0x0], $0xffff;
	[tilespmem:s25+$0xFFFFFF80] =	vst v2  }
0x5a: {  	v2 =	vld.idx.msk [tilespmem:v14+s4+$0x0], $0xffff;
	[tilespmem:s25+$0xFFFFFF90] =	vst v3  }
0x5b: {  	v3 =	vld.idx.msk [tilespmem:v15+s4+$0x0], $0xffff;
	[tilespmem:s25+$0xFFFFFFA0] =	vst v4  }
0x5c: {  	v4 =	vld.idx.msk [tilespmem:v16+s4+$0x0], $0xffff;
	[tilespmem:s25+$0xFFFFFFD0] =	vst v5  }
0x5d: {  	v5 =	vld.idx.msk [tilespmem:v19+s4+$0x0], $0xffff;
	[tilespmem:s25+$0x80] =	vst v7  }
0x5e: {  	v6 =	vld.idx.msk [tilespmem:v23+s4+$0x0], $0xffff;
	[tilespmem:s25+$0xFFFFFFB0] =	vst v0  }
0x5f: {  	v0 =	vld.idx.msk [tilespmem:v17+s4+$0x0], $0xffff;
	[tilespmem:s25+$0xFFFFFFC0] =	vst v1  }
0x60: {  	v1 =	vld.idx.msk [tilespmem:v18+s4+$0x0], $0xffff;
	[tilespmem:s25+$0xFFFFFFE0] =	vst v2  }
0x61: {  	v2 =	vld.idx.msk [tilespmem:v20+s4+$0x0], $0xffff;
	[tilespmem:s25+$0xFFFFFFF0] =	vst v3  }
0x62: {  	v3 =	vld.idx.msk [tilespmem:v21+s4+$0x0], $0xffff;
	[tilespmem:s25+$0x0] =	vst v4  }
0x63: {  	v4 =	vld.idx.msk [tilespmem:v22+s4+$0x0], $0xffff;
	[tilespmem:s25+$0x30] =	vst v5  }
0x64: {  	[tilespmem:s25+$0x70] =	vst v6;
	v5 =	vld.idx.msk [tilespmem:v30+s4+$0x0], $0xffff  }
0x65: {  	[tilespmem:s25+$0x10] =	vst v0;
	v0 =	vld.idx.msk [tilespmem:v25+s4+$0x0], $0xffff  }
0x66: {  	[tilespmem:s25+$0x20] =	vst v1;
	v1 =	vld.idx.msk [tilespmem:v26+s4+$0x0], $0xffff  }
0x67: {  	[tilespmem:s25+$0x40] =	vst v2;
	v2 =	vld.idx.msk [tilespmem:v27+s4+$0x0], $0xffff  }
0x68: {  	[tilespmem:s25+$0x50] =	vst v3;
	v3 =	vld.idx.msk [tilespmem:v28+s4+$0x0], $0xffff  }
0x69: {  	s28 =	simm.s32 $0x0;
	s26 =	sadd.s32 $0x1A700, s31;
	s29 =	sadd.s32 $0x200, s29;
	[tilespmem:s25+$0x60] =	vst v4;
	v4 =	vld.idx.msk [tilespmem:v29+s4+$0x0], $0xffff  }
.LBB2_3:
0x6a: {  	v6 =	vld [tilespmem:s29+$0xF0];
	s28 =	sadd.s32 $0x200, s28;
	[tilespmem:s25+$0x90] =	vst v0  }
0x6b: {  	v0 =	vld [tilespmem:s29+$0xFFFFFF10];
	p0 =	slt.u32 s28, $0xE00;
	[tilespmem:s25+$0xA0] =	vst v1  }
0x6c: {  	v1 =	vld [tilespmem:s29+$0xFFFFFF20];
	[tilespmem:s25+$0xB0] =	vst v2  }
0x6d: {  	v2 =	vld [tilespmem:s29+$0xFFFFFF30];
	[tilespmem:s25+$0xC0] =	vst v3  }
0x6e: {  	v3 =	vld [tilespmem:s29+$0xFFFFFF40];
	[tilespmem:s25+$0xD0] =	vst v4  }
0x6f: {  	v4 =	vld [tilespmem:s29+$0xFFFFFF50];
	[tilespmem:s25+$0xE0] =	vst v5  }
0x70: {  	v5 =	vld [tilespmem:s29+$0xFFFFFF60]  }
0x71: {  	v7 =	vld [tilespmem:s29+$0xFFFFFF70]  }
0x72: {  	v6 =	vld.idx.msk [tilespmem:v6+s4+$0x0], $0xffff  }
0x73: {  	v8 =	vld [tilespmem:s29+$0xFFFFFF80]  }
0x74: {  	v9 =	vld [tilespmem:s29+$0xFFFFFF90]  }
0x75: {  	v10 =	vld [tilespmem:s29+$0xFFFFFFA0]  }
0x76: {  	v11 =	vld [tilespmem:s29+$0xFFFFFFB0]  }
0x77: {  	s25 =	sadd.s32 $0x200, s25;
	v12 =	vld [tilespmem:s29+$0xFFFFFFC0]  }
0x78: {  	v13 =	vld [tilespmem:s29+$0xFFFFFFD0];
	[tilespmem:s25+$0xF0] =	vst v6  }
0x79: {  	v6 =	vld [tilespmem:s29+$0xFFFFFFE0]  }
0x7a: {  	v14 =	vld [tilespmem:s29+$0xFFFFFFF0]  }
0x7b: {  	v15 =	vld [tilespmem:s29+$0x0]  }
0x7c: {  	v16 =	vld [tilespmem:s29+$0x10]  }
0x7d: {  	v17 =	vld [tilespmem:s29+$0x20]  }
0x7e: {  	v18 =	vld [tilespmem:s29+$0x30]  }
0x7f: {  	v19 =	vld [tilespmem:s29+$0x40]  }
0x80: {  	v20 =	vld [tilespmem:s29+$0x50]  }
0x81: {  	v21 =	vld [tilespmem:s29+$0x60]  }
0x82: {  	v22 =	vld [tilespmem:s29+$0x70]  }
0x83: {  	v23 =	vld [tilespmem:s29+$0x80]  }
0x84: {  	v24 =	vld [tilespmem:s29+$0x90]  }
0x85: {  	v25 =	vld [tilespmem:s29+$0xA0]  }
0x86: {  	v26 =	vld [tilespmem:s29+$0xB0]  }
0x87: {  	v27 =	vld [tilespmem:s29+$0xC0]  }
0x88: {  	v28 =	vld [tilespmem:s29+$0xD0]  }
0x89: {  	v29 =	vld [tilespmem:s29+$0xE0]  }
0x8a: {  	v30 =	vld [tilespmem:s29+$0xFFFFFF00]  }
0x8b: {  	v0 =	vld.idx.msk [tilespmem:v0+s4+$0x0], $0xffff  }
0x8c: {  	v1 =	vld.idx.msk [tilespmem:v1+s4+$0x0], $0xffff  }
0x8d: {  	v2 =	vld.idx.msk [tilespmem:v2+s4+$0x0], $0xffff  }
0x8e: {  	v3 =	vld.idx.msk [tilespmem:v3+s4+$0x0], $0xffff  }
0x8f: {  	v4 =	vld.idx.msk [tilespmem:v4+s4+$0x0], $0xffff  }
0x90: {  	v5 =	vld.idx.msk [tilespmem:v5+s4+$0x0], $0xffff  }
0x91: {  	[tilespmem:s25+$0xFFFFFF10] =	vst v0;
	v0 =	vld.idx.msk [tilespmem:v7+s4+$0x0], $0xffff  }
0x92: {  	v7 =	vld.idx.msk [tilespmem:v30+s4+$0x0], $0xffff;
	[tilespmem:s25+$0xFFFFFF20] =	vst v1  }
0x93: {  	[tilespmem:s25+$0xFFFFFF30] =	vst v2;
	v1 =	vld.idx.msk [tilespmem:v8+s4+$0x0], $0xffff  }
0x94: {  	[tilespmem:s25+$0xFFFFFF40] =	vst v3;
	v2 =	vld.idx.msk [tilespmem:v9+s4+$0x0], $0xffff  }
0x95: {  	[tilespmem:s25+$0xFFFFFF50] =	vst v4;
	v3 =	vld.idx.msk [tilespmem:v10+s4+$0x0], $0xffff  }
0x96: {  	[tilespmem:s25+$0xFFFFFF60] =	vst v5;
	v4 =	vld.idx.msk [tilespmem:v11+s4+$0x0], $0xffff  }
0x97: {  	[tilespmem:s25+$0xFFFFFF70] =	vst v0;
	v0 =	vld.idx.msk [tilespmem:v12+s4+$0x0], $0xffff  }
0x98: {  	[tilespmem:s25+$0xFFFFFF00] =	vst v7;
	v5 =	vld.idx.msk [tilespmem:v13+s4+$0x0], $0xffff  }
0x99: {  	[tilespmem:s25+$0xFFFFFF80] =	vst v1;
	v1 =	vld.idx.msk [tilespmem:v6+s4+$0x0], $0xffff  }
0x9a: {  	[tilespmem:s25+$0xFFFFFF90] =	vst v2;
	v2 =	vld.idx.msk [tilespmem:v14+s4+$0x0], $0xffff  }
0x9b: {  	[tilespmem:s25+$0xFFFFFFA0] =	vst v3;
	v3 =	vld.idx.msk [tilespmem:v15+s4+$0x0], $0xffff  }
0x9c: {  	[tilespmem:s25+$0xFFFFFFB0] =	vst v4;
	v4 =	vld.idx.msk [tilespmem:v16+s4+$0x0], $0xffff  }
0x9d: {  	[tilespmem:s25+$0xFFFFFFC0] =	vst v0;
	v0 =	vld.idx.msk [tilespmem:v17+s4+$0x0], $0xffff  }
0x9e: {  	[tilespmem:s25+$0xFFFFFFD0] =	vst v5;
	v5 =	vld.idx.msk [tilespmem:v18+s4+$0x0], $0xffff  }
0x9f: {  	[tilespmem:s25+$0xFFFFFFE0] =	vst v1;
	v1 =	vld.idx.msk [tilespmem:v19+s4+$0x0], $0xffff  }
0xa0: {  	[tilespmem:s25+$0xFFFFFFF0] =	vst v2;
	v2 =	vld.idx.msk [tilespmem:v20+s4+$0x0], $0xffff  }
0xa1: {  	[tilespmem:s25+$0x0] =	vst v3;
	v3 =	vld.idx.msk [tilespmem:v21+s4+$0x0], $0xffff  }
0xa2: {  	[tilespmem:s25+$0x10] =	vst v4;
	v4 =	vld.idx.msk [tilespmem:v22+s4+$0x0], $0xffff  }
0xa3: {  	[tilespmem:s25+$0x20] =	vst v0;
	v6 =	vld.idx.msk [tilespmem:v23+s4+$0x0], $0xffff  }
0xa4: {  	[tilespmem:s25+$0x30] =	vst v5;
	v0 =	vld.idx.msk [tilespmem:v24+s4+$0x0], $0xffff  }
.Ltmp0:
0xa5: {  	[tilespmem:s25+$0x40] =	vst v1;
	v1 =	vld.idx.msk [tilespmem:v25+s4+$0x0], $0xffff;
	(pc) =	sbr.rel @p0 .LBB2_3-.Ltmp0, $4  }
0xa6: {  	[tilespmem:s25+$0x50] =	vst v2;
	v2 =	vld.idx.msk [tilespmem:v26+s4+$0x0], $0xffff  }
0xa7: {  	[tilespmem:s25+$0x60] =	vst v3;
	v3 =	vld.idx.msk [tilespmem:v27+s4+$0x0], $0xffff  }
0xa8: {  	[tilespmem:s25+$0x70] =	vst v4;
	v4 =	vld.idx.msk [tilespmem:v28+s4+$0x0], $0xffff  }
0xa9: {  	s29 =	sadd.s32 $0x200, s29;
	[tilespmem:s25+$0x80] =	vst v6;
	v5 =	vld.idx.msk [tilespmem:v29+s4+$0x0], $0xffff  }
0xaa: {  	[tilespmem:s25+$0x90] =	vst v0  }
0xab: {  	[tilespmem:s25+$0xA0] =	vst v1  }
0xac: {  	p0 =	sne.s32 s23, $0x32;
	[tilespmem:s25+$0xB0] =	vst v2  }
.Ltmp1:
0xad: {  	s24 =	sshll.u32 s24, $0xF;
	[tilespmem:s25+$0xC0] =	vst v3;
	(pc) =	sbr.rel @p0 .LBB2_2-.Ltmp1, $4  }
0xae: {  	s24 =	sadd.s32 s1, s24;
	[tilespmem:s25+$0xD0] =	vst v4  }
0xaf: {  	s24 =	sadd.s32 s8, s24;
	[tilespmem:s25+$0xE0] =	vst v5  }
0xb0: {  	[hbm4b:s24+s12] =	stream.strided.scatter [tilespmem:s26], [sflag:$0x2], $0x1000, s13, s12, $0x38;
	[tilespmem:$0x1F900] =	vst v63  }
0xb1: {  	s22 =	sxor.u32 $0x1, s22;
	s21 =	sxor.u32 $0x1, s21;
	s24 =	smov.u32 s23  }
0xb2: {  	s21 =	simm.s32 $0x0  }
0xb3: {  	[tilespmem:s21], [sflag:$0x3] =	stream.strided.gather [hbm4b:s9+s12], $0x18700, s13, s12, $0x38;
	[tilespmem:$0x1F900] =	vst v63  }
0xb4: {  	_ =	swait.ge [sflag:s19], $0x1000  }
0xb5: {  	[sflag:s19] =	ssyncset.done $0x0  }
0xb6: {  	[sflag:s19] =	ssyncadd.s32 $0xFFFFF000  }
0xb7: {  	_ =	swait.ge [sflag:s19], $0x1000  }
0xb8: {  	[sflag:s19] =	ssyncset.done $0x0  }
0xb9: {  	[sflag:s19] =	ssyncadd.s32 $0xFFFFF000  }
0xba: {  	[tilespmem:s16], [sflag:$0x1] =	stream.linear.gather [spmem:s3], $0x1000, $0x38;
	[tilespmem:$0x1F900] =	vst v63  }
0xbb: {  	_ =	swait.ge [sflag:s17], $0x18700  }
0xbc: {  	[sflag:s17] =	ssyncset.done $0x0  }
0xbd: {  	s22 =	simm.s32 $0x0;
	s23 =	simm.s32 $0x0;
	[sflag:s17] =	ssyncadd.s32 $0xFFFE7900  }
.LBB2_6:
0xbe: {  	s24 =	sadd.s32 $0x1, s21;
	p0 =	seq.s32 s21, $0x31  }
0xbf: {  	s25 =	sshll.u32 @!p0 s24, $0xC  }
0xc0: {  	s26 =	sshll.u32 s23, $0xC;
	s25 =	sand.u32 @!p0 $0x3FFFF000, s25  }
0xc1: {  	s26 =	ssub.s32 @!p0 $0x19700, s26;
	s25 =	sadd.s32 @!p0 s25, s3  }
0xc2: {  	[tilespmem:s26], [sflag:$0x1] =	stream.linear.gather @!p0 [spmem:s25], $0x1000, $0x38;
	[tilespmem:$0x1F900] =	vst v63  }
0xc3: {  	_ =	swait.ge [sflag:s18], $0x1000  }
0xc4: {  	p0 =	slt.u32 s21, $0x2;
	[sflag:s18] =	ssyncset.done $0x0  }
0xc5: {  	s25 =	simm.s32 @!p0 $0x2;
	[sflag:s18] =	ssyncadd.s32 $0xFFFFF000  }
0xc6: {  	s31 =	sshll.u32 s23, $0xE;
	_ =	swait.ge @!p0 [sflag:s25], $0x1000  }
0xc7: {  	s26 =	sshra.s32 s31, $0x2;
	[sflag:s25] =	ssyncset.done @!p0 $0x0  }
0xc8: {  	s29 =	sadd.s32 $0x18800, s26;
	[sflag:s25] =	ssyncadd.s32 @!p0 $0xFFFFF000  }
0xc9: {  	v0 =	vld [tilespmem:s29+$0xF0]  }
0xca: {  	v1 =	vld [tilespmem:s29+$0xFFFFFF10]  }
0xcb: {  	v2 =	vld [tilespmem:s29+$0xFFFFFF20]  }
0xcc: {  	v3 =	vld [tilespmem:s29+$0xFFFFFF30]  }
0xcd: {  	v4 =	vld [tilespmem:s29+$0xFFFFFF40]  }
0xce: {  	v5 =	vld [tilespmem:s29+$0xFFFFFF50]  }
0xcf: {  	v6 =	vld [tilespmem:s29+$0xFFFFFF60]  }
0xd0: {  	v7 =	vld [tilespmem:s29+$0xFFFFFF70]  }
0xd1: {  	v8 =	vld [tilespmem:s29+$0xFFFFFF80]  }
0xd2: {  	v9 =	vld [tilespmem:s29+$0xFFFFFF90]  }
0xd3: {  	v10 =	vld [tilespmem:s29+$0xFFFFFFA0]  }
0xd4: {  	v11 =	vld [tilespmem:s29+$0xFFFFFFB0]  }
0xd5: {  	v12 =	vld [tilespmem:s29+$0xFFFFFFC0]  }
0xd6: {  	v13 =	vld [tilespmem:s29+$0xFFFFFFD0]  }
0xd7: {  	v14 =	vld [tilespmem:s29+$0xFFFFFFE0]  }
0xd8: {  	v15 =	vld [tilespmem:s29+$0xFFFFFFF0]  }
0xd9: {  	v16 =	vld [tilespmem:s29+$0x0]  }
0xda: {  	v17 =	vld [tilespmem:s29+$0x10]  }
0xdb: {  	v18 =	vld [tilespmem:s29+$0x20]  }
0xdc: {  	v19 =	vld [tilespmem:s29+$0x30]  }
0xdd: {  	v20 =	vld [tilespmem:s29+$0x40]  }
0xde: {  	v21 =	vld [tilespmem:s29+$0x50]  }
0xdf: {  	v22 =	vld [tilespmem:s29+$0x60]  }
0xe0: {  	v23 =	vld [tilespmem:s29+$0x70]  }
0xe1: {  	v24 =	vld [tilespmem:s29+$0x80]  }
0xe2: {  	v25 =	vld [tilespmem:s29+$0x90]  }
0xe3: {  	v26 =	vld [tilespmem:s29+$0xA0]  }
0xe4: {  	v27 =	vld [tilespmem:s29+$0xB0]  }
0xe5: {  	v28 =	vld [tilespmem:s29+$0xC0]  }
0xe6: {  	v29 =	vld [tilespmem:s29+$0xD0]  }
0xe7: {  	v30 =	vld [tilespmem:s29+$0xE0]  }
0xe8: {  	v31 =	vld [tilespmem:s29+$0xFFFFFF00]  }
0xe9: {  	v0 =	vld.idx.msk [tilespmem:v0+s4+$0x0], $0xffff  }
0xea: {  	v1 =	vld.idx.msk [tilespmem:v1+s4+$0x0], $0xffff  }
0xeb: {  	v2 =	vld.idx.msk [tilespmem:v2+s4+$0x0], $0xffff  }
0xec: {  	s30 =	sshll.u32 s22, $0xE;
	v3 =	vld.idx.msk [tilespmem:v3+s4+$0x0], $0xffff  }
0xed: {  	s31 =	sshra.s32 s30, $0x2;
	v4 =	vld.idx.msk [tilespmem:v4+s4+$0x0], $0xffff  }
0xee: {  	s25 =	sadd.s32 $0x1A800, s31;
	v5 =	vld.idx.msk [tilespmem:v5+s4+$0x0], $0xffff  }
0xef: {  	[tilespmem:s25+$0xF0] =	vst v0;
	v0 =	vld.idx.msk [tilespmem:v6+s4+$0x0], $0xffff  }
0xf0: {  	[tilespmem:s25+$0xFFFFFF10] =	vst v1;
	v1 =	vld.idx.msk [tilespmem:v7+s4+$0x0], $0xffff  }
0xf1: {  	v6 =	vld.idx.msk [tilespmem:v31+s4+$0x0], $0xffff;
	[tilespmem:s25+$0xFFFFFF20] =	vst v2  }
0xf2: {  	[tilespmem:s25+$0xFFFFFF30] =	vst v3;
	v2 =	vld.idx.msk [tilespmem:v8+s4+$0x0], $0xffff  }
0xf3: {  	[tilespmem:s25+$0xFFFFFF40] =	vst v4;
	v3 =	vld.idx.msk [tilespmem:v9+s4+$0x0], $0xffff  }
0xf4: {  	[tilespmem:s25+$0xFFFFFF50] =	vst v5;
	v4 =	vld.idx.msk [tilespmem:v10+s4+$0x0], $0xffff  }
0xf5: {  	v5 =	vld.idx.msk [tilespmem:v13+s4+$0x0], $0xffff;
	[tilespmem:s25+$0xFFFFFF60] =	vst v0  }
0xf6: {  	v7 =	vld.idx.msk [tilespmem:v24+s4+$0x0], $0xffff;
	[tilespmem:s25+$0xFFFFFF70] =	vst v1  }
0xf7: {  	v0 =	vld.idx.msk [tilespmem:v11+s4+$0x0], $0xffff;
	[tilespmem:s25+$0xFFFFFF00] =	vst v6  }
0xf8: {  	v1 =	vld.idx.msk [tilespmem:v12+s4+$0x0], $0xffff;
	[tilespmem:s25+$0xFFFFFF80] =	vst v2  }
0xf9: {  	v2 =	vld.idx.msk [tilespmem:v14+s4+$0x0], $0xffff;
	[tilespmem:s25+$0xFFFFFF90] =	vst v3  }
0xfa: {  	v3 =	vld.idx.msk [tilespmem:v15+s4+$0x0], $0xffff;
	[tilespmem:s25+$0xFFFFFFA0] =	vst v4  }
0xfb: {  	v4 =	vld.idx.msk [tilespmem:v16+s4+$0x0], $0xffff;
	[tilespmem:s25+$0xFFFFFFD0] =	vst v5  }
0xfc: {  	v5 =	vld.idx.msk [tilespmem:v19+s4+$0x0], $0xffff;
	[tilespmem:s25+$0x80] =	vst v7  }
0xfd: {  	v6 =	vld.idx.msk [tilespmem:v23+s4+$0x0], $0xffff;
	[tilespmem:s25+$0xFFFFFFB0] =	vst v0  }
0xfe: {  	v0 =	vld.idx.msk [tilespmem:v17+s4+$0x0], $0xffff;
	[tilespmem:s25+$0xFFFFFFC0] =	vst v1  }
0xff: {  	v1 =	vld.idx.msk [tilespmem:v18+s4+$0x0], $0xffff;
	[tilespmem:s25+$0xFFFFFFE0] =	vst v2  }
0x100: {  	v2 =	vld.idx.msk [tilespmem:v20+s4+$0x0], $0xffff;
	[tilespmem:s25+$0xFFFFFFF0] =	vst v3  }
0x101: {  	v3 =	vld.idx.msk [tilespmem:v21+s4+$0x0], $0xffff;
	[tilespmem:s25+$0x0] =	vst v4  }
0x102: {  	v4 =	vld.idx.msk [tilespmem:v22+s4+$0x0], $0xffff;
	[tilespmem:s25+$0x30] =	vst v5  }
0x103: {  	[tilespmem:s25+$0x70] =	vst v6;
	v5 =	vld.idx.msk [tilespmem:v30+s4+$0x0], $0xffff  }
0x104: {  	[tilespmem:s25+$0x10] =	vst v0;
	v0 =	vld.idx.msk [tilespmem:v25+s4+$0x0], $0xffff  }
0x105: {  	[tilespmem:s25+$0x20] =	vst v1;
	v1 =	vld.idx.msk [tilespmem:v26+s4+$0x0], $0xffff  }
0x106: {  	[tilespmem:s25+$0x40] =	vst v2;
	v2 =	vld.idx.msk [tilespmem:v27+s4+$0x0], $0xffff  }
0x107: {  	[tilespmem:s25+$0x50] =	vst v3;
	v3 =	vld.idx.msk [tilespmem:v28+s4+$0x0], $0xffff  }
0x108: {  	s28 =	simm.s32 $0x0;
	s26 =	sadd.s32 $0x1A700, s31;
	s29 =	sadd.s32 $0x200, s29;
	[tilespmem:s25+$0x60] =	vst v4;
	v4 =	vld.idx.msk [tilespmem:v29+s4+$0x0], $0xffff  }
.LBB2_7:
0x109: {  	v6 =	vld [tilespmem:s29+$0xF0];
	s28 =	sadd.s32 $0x200, s28;
	[tilespmem:s25+$0x90] =	vst v0  }
0x10a: {  	v0 =	vld [tilespmem:s29+$0xFFFFFF10];
	p0 =	slt.u32 s28, $0xE00;
	[tilespmem:s25+$0xA0] =	vst v1  }
0x10b: {  	v1 =	vld [tilespmem:s29+$0xFFFFFF20];
	[tilespmem:s25+$0xB0] =	vst v2  }
0x10c: {  	v2 =	vld [tilespmem:s29+$0xFFFFFF30];
	[tilespmem:s25+$0xC0] =	vst v3  }
0x10d: {  	v3 =	vld [tilespmem:s29+$0xFFFFFF40];
	[tilespmem:s25+$0xD0] =	vst v4  }
0x10e: {  	v4 =	vld [tilespmem:s29+$0xFFFFFF50];
	[tilespmem:s25+$0xE0] =	vst v5  }
0x10f: {  	v5 =	vld [tilespmem:s29+$0xFFFFFF60]  }
0x110: {  	v7 =	vld [tilespmem:s29+$0xFFFFFF70]  }
0x111: {  	v6 =	vld.idx.msk [tilespmem:v6+s4+$0x0], $0xffff  }
0x112: {  	v8 =	vld [tilespmem:s29+$0xFFFFFF80]  }
0x113: {  	v9 =	vld [tilespmem:s29+$0xFFFFFF90]  }
0x114: {  	v10 =	vld [tilespmem:s29+$0xFFFFFFA0]  }
0x115: {  	v11 =	vld [tilespmem:s29+$0xFFFFFFB0]  }
0x116: {  	s25 =	sadd.s32 $0x200, s25;
	v12 =	vld [tilespmem:s29+$0xFFFFFFC0]  }
0x117: {  	v13 =	vld [tilespmem:s29+$0xFFFFFFD0];
	[tilespmem:s25+$0xF0] =	vst v6  }
0x118: {  	v6 =	vld [tilespmem:s29+$0xFFFFFFE0]  }
0x119: {  	v14 =	vld [tilespmem:s29+$0xFFFFFFF0]  }
0x11a: {  	v15 =	vld [tilespmem:s29+$0x0]  }
0x11b: {  	v16 =	vld [tilespmem:s29+$0x10]  }
0x11c: {  	v17 =	vld [tilespmem:s29+$0x20]  }
0x11d: {  	v18 =	vld [tilespmem:s29+$0x30]  }
0x11e: {  	v19 =	vld [tilespmem:s29+$0x40]  }
0x11f: {  	v20 =	vld [tilespmem:s29+$0x50]  }
0x120: {  	v21 =	vld [tilespmem:s29+$0x60]  }
0x121: {  	v22 =	vld [tilespmem:s29+$0x70]  }
0x122: {  	v23 =	vld [tilespmem:s29+$0x80]  }
0x123: {  	v24 =	vld [tilespmem:s29+$0x90]  }
0x124: {  	v25 =	vld [tilespmem:s29+$0xA0]  }
0x125: {  	v26 =	vld [tilespmem:s29+$0xB0]  }
0x126: {  	v27 =	vld [tilespmem:s29+$0xC0]  }
0x127: {  	v28 =	vld [tilespmem:s29+$0xD0]  }
0x128: {  	v29 =	vld [tilespmem:s29+$0xE0]  }
0x129: {  	v30 =	vld [tilespmem:s29+$0xFFFFFF00]  }
0x12a: {  	v0 =	vld.idx.msk [tilespmem:v0+s4+$0x0], $0xffff  }
0x12b: {  	v1 =	vld.idx.msk [tilespmem:v1+s4+$0x0], $0xffff  }
0x12c: {  	v2 =	vld.idx.msk [tilespmem:v2+s4+$0x0], $0xffff  }
0x12d: {  	v3 =	vld.idx.msk [tilespmem:v3+s4+$0x0], $0xffff  }
0x12e: {  	v4 =	vld.idx.msk [tilespmem:v4+s4+$0x0], $0xffff  }
0x12f: {  	v5 =	vld.idx.msk [tilespmem:v5+s4+$0x0], $0xffff  }
0x130: {  	[tilespmem:s25+$0xFFFFFF10] =	vst v0;
	v0 =	vld.idx.msk [tilespmem:v7+s4+$0x0], $0xffff  }
0x131: {  	v7 =	vld.idx.msk [tilespmem:v30+s4+$0x0], $0xffff;
	[tilespmem:s25+$0xFFFFFF20] =	vst v1  }
0x132: {  	[tilespmem:s25+$0xFFFFFF30] =	vst v2;
	v1 =	vld.idx.msk [tilespmem:v8+s4+$0x0], $0xffff  }
0x133: {  	[tilespmem:s25+$0xFFFFFF40] =	vst v3;
	v2 =	vld.idx.msk [tilespmem:v9+s4+$0x0], $0xffff  }
0x134: {  	[tilespmem:s25+$0xFFFFFF50] =	vst v4;
	v3 =	vld.idx.msk [tilespmem:v10+s4+$0x0], $0xffff  }
0x135: {  	[tilespmem:s25+$0xFFFFFF60] =	vst v5;
	v4 =	vld.idx.msk [tilespmem:v11+s4+$0x0], $0xffff  }
0x136: {  	[tilespmem:s25+$0xFFFFFF70] =	vst v0;
	v0 =	vld.idx.msk [tilespmem:v12+s4+$0x0], $0xffff  }
0x137: {  	[tilespmem:s25+$0xFFFFFF00] =	vst v7;
	v5 =	vld.idx.msk [tilespmem:v13+s4+$0x0], $0xffff  }
0x138: {  	[tilespmem:s25+$0xFFFFFF80] =	vst v1;
	v1 =	vld.idx.msk [tilespmem:v6+s4+$0x0], $0xffff  }
0x139: {  	[tilespmem:s25+$0xFFFFFF90] =	vst v2;
	v2 =	vld.idx.msk [tilespmem:v14+s4+$0x0], $0xffff  }
0x13a: {  	[tilespmem:s25+$0xFFFFFFA0] =	vst v3;
	v3 =	vld.idx.msk [tilespmem:v15+s4+$0x0], $0xffff  }
0x13b: {  	[tilespmem:s25+$0xFFFFFFB0] =	vst v4;
	v4 =	vld.idx.msk [tilespmem:v16+s4+$0x0], $0xffff  }
0x13c: {  	[tilespmem:s25+$0xFFFFFFC0] =	vst v0;
	v0 =	vld.idx.msk [tilespmem:v17+s4+$0x0], $0xffff  }
0x13d: {  	[tilespmem:s25+$0xFFFFFFD0] =	vst v5;
	v5 =	vld.idx.msk [tilespmem:v18+s4+$0x0], $0xffff  }
0x13e: {  	[tilespmem:s25+$0xFFFFFFE0] =	vst v1;
	v1 =	vld.idx.msk [tilespmem:v19+s4+$0x0], $0xffff  }
0x13f: {  	[tilespmem:s25+$0xFFFFFFF0] =	vst v2;
	v2 =	vld.idx.msk [tilespmem:v20+s4+$0x0], $0xffff  }
0x140: {  	[tilespmem:s25+$0x0] =	vst v3;
	v3 =	vld.idx.msk [tilespmem:v21+s4+$0x0], $0xffff  }
0x141: {  	[tilespmem:s25+$0x10] =	vst v4;
	v4 =	vld.idx.msk [tilespmem:v22+s4+$0x0], $0xffff  }
0x142: {  	[tilespmem:s25+$0x20] =	vst v0;
	v6 =	vld.idx.msk [tilespmem:v23+s4+$0x0], $0xffff  }
0x143: {  	[tilespmem:s25+$0x30] =	vst v5;
	v0 =	vld.idx.msk [tilespmem:v24+s4+$0x0], $0xffff  }
.Ltmp2:
0x144: {  	[tilespmem:s25+$0x40] =	vst v1;
	v1 =	vld.idx.msk [tilespmem:v25+s4+$0x0], $0xffff;
	(pc) =	sbr.rel @p0 .LBB2_7-.Ltmp2, $4  }
0x145: {  	[tilespmem:s25+$0x50] =	vst v2;
	v2 =	vld.idx.msk [tilespmem:v26+s4+$0x0], $0xffff  }
0x146: {  	[tilespmem:s25+$0x60] =	vst v3;
	v3 =	vld.idx.msk [tilespmem:v27+s4+$0x0], $0xffff  }
0x147: {  	[tilespmem:s25+$0x70] =	vst v4;
	v4 =	vld.idx.msk [tilespmem:v28+s4+$0x0], $0xffff  }
0x148: {  	s29 =	sadd.s32 $0x200, s29;
	[tilespmem:s25+$0x80] =	vst v6;
	v5 =	vld.idx.msk [tilespmem:v29+s4+$0x0], $0xffff  }
0x149: {  	[tilespmem:s25+$0x90] =	vst v0  }
0x14a: {  	[tilespmem:s25+$0xA0] =	vst v1  }
0x14b: {  	p0 =	sne.s32 s24, $0x32;
	[tilespmem:s25+$0xB0] =	vst v2  }
.Ltmp3:
0x14c: {  	s21 =	sshll.u32 s21, $0xF;
	[tilespmem:s25+$0xC0] =	vst v3;
	(pc) =	sbr.rel @p0 .LBB2_6-.Ltmp3, $4  }
0x14d: {  	s21 =	sadd.s32 s1, s21;
	[tilespmem:s25+$0xD0] =	vst v4  }
0x14e: {  	s21 =	sadd.s32 s10, s21;
	[tilespmem:s25+$0xE0] =	vst v5  }
0x14f: {  	[hbm4b:s21+s12] =	stream.strided.scatter [tilespmem:s26], [sflag:$0x2], $0x1000, s13, s12, $0x38;
	[tilespmem:$0x1F900] =	vst v63  }
0x150: {  	s23 =	sxor.u32 $0x1, s23;
	s22 =	sxor.u32 $0x1, s22;
	s21 =	smov.u32 s24  }
0x151: {  	s20 =	sadd.s32 $0x1, s20  }
0x152: {  	_ =	swait.ge [sflag:s19], $0x1000;
	p0 =	sne.s32 s20, s11  }
.Ltmp4:
0x153: {  	[sflag:s19] =	ssyncset.done $0x0;
	(pc) =	sbr.rel @p0 .LBB2_1-.Ltmp4, $4  }
0x154: {  	[sflag:s19] =	ssyncadd.s32 $0xFFFFF000  }
0x155: {  	_ =	swait.ge [sflag:s19], $0x1000  }
0x156: {  	[sflag:s19] =	ssyncset.done $0x0  }
0x157: {  	[sflag:s19] =	ssyncadd.s32 $0xFFFFF000  }
0x158: {  	_ =	sfence.sel $0x180000  }
0x159: {  	[bflag:$0x0] =	sbarrier.arrive $0xFFFF  }
0x15a: {  	p0 =	sne.s32 s2, $0x0;
	_ =	strace $0x90000047  }
0x15b: {  	s0 =	sadd.s32 @!p0 $0x100000, s0;
	[bflag:$0x2] =	sbarrier.arrive $0xFFFF  }
0x15c: {  	[sflag:s0] =	ssyncadd.tile.s32 @!p0 $0x1;
	_ =	shalt  }
.Lfunc_end2:
_tile_overlayer_lowered:
.L_overlay_start_2:
0x15d: {  	(tag) =	ssettag $0x2  }
0x15e: {  	s0 =	rddreg [dreg:$0x0];
	s2 =	stileid.u32  }
0x15f: {  	s1 =	rddreg [dreg:$0x1];
	p0 =	sne.s32 s2, $0x0  }
0x160: {  	s3 =	rddreg [dreg:$0x2];
	[bflag:$0x3] =	sbarrier.arrive $0xFFFF;
	s2 =	simm.s32 @!p0 $0x1C04  }
0x161: {  	[timem:s3], [sflag:s2] =	dma.local @!p0 [hbm:s0], s1  }
0x162: {  	s0 =	simm.s32 @!p0 $0x4  }
0x163: {  	_ =	swait.ge @!p0 [sflag:s0], s1  }
0x164: {  	s1 =	ssub.s32 @!p0 $0x0, s1;
	[sflag:s0] =	ssyncset.done @!p0 $0x0  }
0x165: {  	[sflag:s0] =	ssyncadd.s32 @!p0 s1  }
0x166: {  	[bflag:$0x3] =	sbarrier.arrive $0xFFFF  }
0x167: {  	_ =	shalt  }

</sc_bundles>
